<compile_context>
chip_gen: v7x
topology: tpu7x:2x2x1
jax: 0.10.2.dev20260603
libtpu: 0.0.44.dev20260713+nightly
codegen_flags: <defaults>
</compile_context>

<pallas_src>
import functools
import math

import jax
import jax.numpy as jnp
from jax import lax
from jax.experimental import pallas as pl
from jax.experimental.pallas import tpu as pltpu
from jax.experimental.pallas import tpu_sc as plsc

N = 10000
E = 320000
D = 128
H = 8
DK = 16

NC = 2
NS = 16
NW = NC * NS
NPAD = 10080
EP = 322560
EPT = EP // NW
CHUNK = 48
NCHUNK = EPT // CHUNK
ROWW = 136
RPT = N // NS


def _proj_body(h_ref, w_ref, b_ref, q_ref, kv_ref):
    qkv = jnp.dot(h_ref[:], w_ref[:], preferred_element_type=jnp.float32)
    qkv = qkv + b_ref[:]
    q_ref[:] = qkv[:, :D]
    kv_ref[:] = qkv[:, D:]


def _project(h, w_all, b_all):
    blk = 1000
    grid = N // blk
    return pl.pallas_call(
        _proj_body,
        grid=(grid,),
        in_specs=[
            pl.BlockSpec((blk, D), lambda i: (i, 0)),
            pl.BlockSpec((D, 3 * D), lambda i: (0, 0)),
            pl.BlockSpec((1, 3 * D), lambda i: (0, 0)),
        ],
        out_specs=[
            pl.BlockSpec((blk, D), lambda i: (i, 0)),
            pl.BlockSpec((blk, 2 * D), lambda i: (i, 0)),
        ],
        out_shape=[
            jax.ShapeDtypeStruct((N, D), jnp.float32),
            jax.ShapeDtypeStruct((N, 2 * D), jnp.float32),
        ],
    )(h, w_all, b_all)


def _sc_edge(q, kv, src, dst):
    mesh = plsc.VectorSubcoreMesh(core_axis_name="c", subcore_axis_name="s")

    @functools.partial(
        pl.kernel,
        out_type=jax.ShapeDtypeStruct((NC * N, ROWW), jnp.float32),
        mesh=mesh,
        compiler_params=pltpu.CompilerParams(use_tc_tiling_on_sc=False,
                                             needs_layout_passes=False),
        scratch_types=[
            pltpu.VMEM((3, CHUNK), jnp.int32),
            pltpu.VMEM((3, CHUNK), jnp.int32),
            pltpu.VMEM((2 * CHUNK, D), jnp.float32),
            pltpu.VMEM((2 * CHUNK, 2 * D), jnp.float32),
            pltpu.VMEM((CHUNK, ROWW), jnp.float32),
            pltpu.VMEM_SHARED((NPAD, ROWW), jnp.float32),
            pltpu.SemaphoreType.DMA((2,)),
            pltpu.SemaphoreType.DMA((2,)),
            pltpu.SemaphoreType.DMA((3,)),
            pltpu.SemaphoreType.DMA((3,)),
            pltpu.SemaphoreType.DMA,
        ],
    )
    def sc_kernel(q_hbm, kv_hbm, src_hbm, dst_hbm, out_hbm,
                  src_buf, dst_buf, q_chunk, kv_chunk, comb, shared,
                  semq, semkv, semsi, semdi, semsc):
        c = lax.axis_index("c")
        s = lax.axis_index("s")
        tile_base = (c * NS + s) * EPT
        row0 = s * RPT

        zero16 = jnp.zeros((16,), jnp.float32)
        lane = lax.broadcasted_iota(jnp.int32, (16,), 0)

        def _zero_comb(i, _):
            for j in range(D // 16):
                comb[i, pl.ds(j * 16, 16)] = zero16
            comb[i, pl.ds(ROWW - 16, 16)] = zero16
            return 0
        lax.fori_loop(0, CHUNK, _zero_comb, 0)

        for j in range(13):
            pltpu.sync_copy(comb, shared.at[pl.ds(row0 + j * CHUNK, CHUNK)])
        pltpu.sync_copy(comb.at[pl.ds(0, RPT - 13 * CHUNK)],
                        shared.at[pl.ds(row0 + 13 * CHUNK, RPT - 13 * CHUNK)])
        plsc.subcore_barrier()

        def _idx_fetch(ci):
            b3 = lax.rem(ci, 3)
            base = tile_base + ci * CHUNK
            pltpu.async_copy(src_hbm.at[pl.ds(base, CHUNK)],
                             src_buf.at[b3], semsi.at[b3])
            pltpu.async_copy(dst_hbm.at[pl.ds(base, CHUNK)],
                             dst_buf.at[b3], semdi.at[b3])

        def _gather(ci):
            b = lax.rem(ci, 2)
            b3 = lax.rem(ci, 3)
            base = tile_base + ci * CHUNK
            boff = pl.multiple_of(b * CHUNK, 8)
            pltpu.make_async_copy(src_hbm.at[pl.ds(base, CHUNK)],
                                  src_buf.at[b3], semsi.at[b3]).wait()
            pltpu.make_async_copy(dst_hbm.at[pl.ds(base, CHUNK)],
                                  dst_buf.at[b3], semdi.at[b3]).wait()
            pltpu.async_copy(q_hbm.at[dst_buf.at[b3]],
                             q_chunk.at[pl.ds(boff, CHUNK)], semq.at[b])
            pltpu.async_copy(kv_hbm.at[src_buf.at[b3]],
                             kv_chunk.at[pl.ds(boff, CHUNK)], semkv.at[b])

        def _drain(ci):
            b = lax.rem(ci, 2)
            b3 = lax.rem(ci, 3)
            boff = pl.multiple_of(b * CHUNK, 8)
            pltpu.make_async_copy(q_hbm.at[dst_buf.at[b3]],
                                  q_chunk.at[pl.ds(boff, CHUNK)],
                                  semq.at[b]).wait()
            pltpu.make_async_copy(kv_hbm.at[src_buf.at[b3]],
                                  kv_chunk.at[pl.ds(boff, CHUNK)],
                                  semkv.at[b]).wait()

        def _compute(ci):
            b = lax.rem(ci, 2)
            boff = b * CHUNK
            opaque = lane + lax.shift_right_logical(s, 4)
            rots = [opaque ^ dd for dd in range(DK)]
            zvec = jnp.zeros((16,), jnp.int32)

            def group_body(g, _):
                rows = lane + g * 16
                qrows = rows + boff

                def head_body(hh, _):
                    hoff = hh * 16
                    acc = jnp.zeros((16,), jnp.float32)
                    for dd in range(DK):
                        col = rots[dd] | hoff
                        qc = plsc.load_gather(q_chunk, [qrows, col])
                        kc = plsc.load_gather(kv_chunk, [qrows, col])
                        acc = acc + qc * kc
                    eh = jnp.exp(acc)
                    plsc.store_scatter(comb, [rows, zvec + (D + hh)], eh)
                    for half in range(2):
                        mcols = []
                        rng = list(range(8 * half, 8 * half + 8))
                        for dd in rng:
                            col = rots[dd] | (D + hoff)
                            vc = plsc.load_gather(kv_chunk, [qrows, col])
                            mcols.append(vc * eh)
                        for i, dd in enumerate(rng):
                            col = rots[dd] | hoff
                            plsc.store_scatter(comb, [rows, col], mcols[i])
                    return 0
                lax.fori_loop(0, H, head_body, 0)
                return 0
            lax.fori_loop(0, CHUNK // 16, group_body, 0)
            pltpu.async_copy(comb, shared.at[dst_buf.at[lax.rem(ci, 3)]],
                             semsc, add=True)

        def _scat_wait(cj):
            pltpu.make_async_copy(comb,
                                  shared.at[dst_buf.at[lax.rem(cj, 3)]],
                                  semsc).wait()

        _idx_fetch(jnp.int32(0))
        _idx_fetch(jnp.int32(1))
        _gather(jnp.int32(0))

        def pipe_body(ci, _):
            @pl.when(ci > 0)
            def _sw():
                _scat_wait(ci - 1)

            @pl.when(ci + 2 < NCHUNK)
            def _pf_idx():
                _idx_fetch(ci + 2)

            @pl.when(ci + 1 < NCHUNK)
            def _pf_gather():
                _gather(ci + 1)
            _drain(ci)
            _compute(ci)
            return 0
        lax.fori_loop(0, NCHUNK, pipe_body, 0)
        _scat_wait(jnp.int32(NCHUNK - 1))

        plsc.subcore_barrier()
        for j in range(5):
            r = row0 + j * 125
            pltpu.sync_copy(shared.at[pl.ds(r, 125)],
                            out_hbm.at[pl.ds(c * N + r, 125)])

    src = pltpu.with_memory_space_constraint(src, pltpu.MemorySpace.HBM)
    dst = pltpu.with_memory_space_constraint(dst, pltpu.MemorySpace.HBM)
    return sc_kernel(q, kv, src, dst)


def _final_body(c1_ref, c2_ref, h_ref, wa_ref, ba_ref, skip_ref, out_ref):
    agg = c1_ref[:] + c2_ref[:]
    msg = agg[:, :D]
    den = agg[:, D:D + H]
    recip = 1.0 / jnp.maximum(den, 1e-30)
    hh = lax.broadcasted_iota(jnp.int32, (H, D), 0)
    dd = lax.broadcasted_iota(jnp.int32, (H, D), 1) // DK
    expand = (hh == dd).astype(jnp.float32)
    rep = jnp.dot(recip, expand, preferred_element_type=jnp.float32)
    t = msg * rep
    out = jnp.dot(t, wa_ref[:], preferred_element_type=jnp.float32) + ba_ref[:]
    alpha = 1.0 / (1.0 + jnp.exp(-skip_ref[0, 0]))
    out_ref[:] = out * alpha + h_ref[:] * (1.0 - alpha)


def _finalize(comb, h, wa, ba, skip):
    blk = 1000
    grid = N // blk
    return pl.pallas_call(
        _final_body,
        grid=(grid,),
        in_specs=[
            pl.BlockSpec((blk, ROWW), lambda i: (i, 0)),
            pl.BlockSpec((blk, ROWW), lambda i: (i + grid, 0)),
            pl.BlockSpec((blk, D), lambda i: (i, 0)),
            pl.BlockSpec((D, D), lambda i: (0, 0)),
            pl.BlockSpec((1, D), lambda i: (0, 0)),
            pl.BlockSpec((1, 1), lambda i: (0, 0)),
        ],
        out_specs=pl.BlockSpec((blk, D), lambda i: (i, 0)),
        out_shape=jax.ShapeDtypeStruct((N, D), jnp.float32),
    )(comb, comb, h, wa, ba, skip)


def kernel(h, edge_index, Wk, bk, Wq, bq, Wv, bv, Wa, ba, rel_att, rel_pri,
           rel_msg, skip):
    bd_att = jax.scipy.linalg.block_diag(*[rel_att[i] for i in range(H)])
    bd_msg = jax.scipy.linalg.block_diag(*[rel_msg[i] for i in range(H)])
    wk_eff = Wk @ bd_att
    bk_eff = bk @ bd_att
    wv_eff = Wv @ bd_msg
    bv_eff = bv @ bd_msg
    qscale = jnp.repeat(rel_pri, DK) * (1.0 / math.sqrt(DK))
    wq_eff = Wq * qscale[None, :]
    bq_eff = bq * qscale

    w_all = jnp.concatenate([wq_eff, wk_eff, wv_eff], axis=1)
    b_all = jnp.concatenate([bq_eff, bk_eff, bv_eff])[None, :]

    q, kv = _project(h, w_all, b_all)
    qp = jnp.concatenate([q, jnp.zeros((NPAD - N, D), jnp.float32)], axis=0)
    npd = EP - E
    src = jnp.concatenate([edge_index[0], jnp.zeros((npd,), jnp.int32)])
    dst = jnp.concatenate(
        [edge_index[1],
         N + (jnp.arange(npd, dtype=jnp.int32) % (NPAD - N))])
    comb = _sc_edge(qp, kv, src, dst)
    return _finalize(comb, h, Wa, ba[None, :], skip.reshape(1, 1))

# --- scband reference (transcript-rebuilt; emitter-appended) ---
"""Pipeline reference for scband-hgtlayer-5995774345994 (READ-ONLY COPY).

The authoritative reference and input builder live on the scoring server;
editing this copy changes nothing except your own understanding.
"""

import math
import jax, jax.numpy as jnp
import numpy as np

N = 10000
E = 320000
D = 128
H = 8
DK = D // H


def setup_inputs(seed: int = 0) -> dict:
    key = jax.random.key(seed)
    ks = jax.random.split(key, 16)
    h = jax.random.normal(ks[0], (N, D), dtype=jnp.float32)
    edge_index = jax.random.randint(ks[1], (2, E), 0, N, dtype=jnp.int32)
    s = 1.0 / math.sqrt(D)
    Wk = jax.random.normal(ks[2], (D, D), dtype=jnp.float32) * s
    bk = jnp.zeros((D,), dtype=jnp.float32)
    Wq = jax.random.normal(ks[3], (D, D), dtype=jnp.float32) * s
    bq = jnp.zeros((D,), dtype=jnp.float32)
    Wv = jax.random.normal(ks[4], (D, D), dtype=jnp.float32) * s
    bv = jnp.zeros((D,), dtype=jnp.float32)
    Wa = jax.random.normal(ks[5], (D, D), dtype=jnp.float32) * s
    ba = jnp.zeros((D,), dtype=jnp.float32)
    xav = math.sqrt(6.0 / (DK + DK))
    rel_att = jax.random.uniform(ks[6], (H, DK, DK), dtype=jnp.float32, minval=-xav, maxval=xav)
    rel_msg = jax.random.uniform(ks[7], (H, DK, DK), dtype=jnp.float32, minval=-xav, maxval=xav)
    rel_pri = jnp.ones((H,), dtype=jnp.float32)
    skip = jnp.ones((1,), dtype=jnp.float32)
    return {"h": h, "edge_index": edge_index, "Wk": Wk, "bk": bk, "Wq": Wq, "bq": bq,
            "Wv": Wv, "bv": bv, "Wa": Wa, "ba": ba, "rel_att": rel_att,
            "rel_pri": rel_pri, "rel_msg": rel_msg, "skip": skip}


def reference(h, edge_index, Wk, bk, Wq, bq, Wv, bv, Wa, ba, rel_att, rel_pri, rel_msg, skip):
    n = h.shape[0]
    src = edge_index[0]
    dst = edge_index[1]
    k = (h @ Wk + bk).reshape(n, H, DK)
    q = (h @ Wq + bq).reshape(n, H, DK)
    v = (h @ Wv + bv).reshape(n, H, DK)
    # relation-specific transforms (single relation, e_id=0)
    k = jnp.einsum('bij,ijk->bik', k, rel_att)
    v = jnp.einsum('bij,ijk->bik', v, rel_msg)
    # v_dot_u('q','k'): dot of dst q with src k per head, then scale
    score = jnp.sum(q[dst] * k[src], axis=-1) * rel_pri / math.sqrt(DK)  # [E, H]
    # edge softmax normalized by dst
    m = jax.ops.segment_max(score, dst, num_segments=n)
    e = jnp.exp(score - m[dst])
    denom = jax.ops.segment_sum(e, dst, num_segments=n)
    attn = e / denom[dst]
    # u_mul_e + sum reduce
    agg = jax.ops.segment_sum(v[src] * attn[:, :, None], dst, num_segments=n)
    t = agg.reshape(n, H * DK)
    alpha = jax.nn.sigmoid(skip[0])
    trans_out = t @ Wa + ba  # dropout is identity in eval
    return trans_out * alpha + h * (1.0 - alpha)

if __name__ == "__main__":
    import jax
    _d = setup_inputs()
    print(jax.jit(kernel)(*tuple(_d.values())))

</pallas_src>

<mosaic_0001>
#map = affine_map<(d0, d1) -> (0, 0)>
#map1 = affine_map<(d0, d1) -> (0)>
module attributes {stable_mosaic.version = 14 : i64} {
  func.func @sc_kernel(%arg0: i32, %arg1: i32, %arg2: memref<10080x128xf32, #tpu.memory_space<hbm>>, %arg3: memref<10000x256xf32, #tpu.memory_space<hbm>>, %arg4: memref<322560xi32, #tpu.memory_space<hbm>>, %arg5: memref<322560xi32, #tpu.memory_space<hbm>>, %arg6: memref<20000x136xf32, #tpu.memory_space<hbm>>, %arg7: memref<3x48xi32, #tpu.memory_space<vmem>>, %arg8: memref<3x48xi32, #tpu.memory_space<vmem>>, %arg9: memref<96x128xf32, #tpu.memory_space<vmem>>, %arg10: memref<96x256xf32, #tpu.memory_space<vmem>>, %arg11: memref<48x136xf32, #tpu.memory_space<vmem>>, %arg12: memref<10080x136xf32, #tpu.memory_space<vmem_shared>>, %arg13: memref<2x!tpu.dma_semaphore, #tpu.memory_space<semaphore_mem>>, %arg14: memref<2x!tpu.dma_semaphore, #tpu.memory_space<semaphore_mem>>, %arg15: memref<3x!tpu.dma_semaphore, #tpu.memory_space<semaphore_mem>>, %arg16: memref<3x!tpu.dma_semaphore, #tpu.memory_space<semaphore_mem>>, %arg17: memref<!tpu.dma_semaphore, #tpu.memory_space<semaphore_mem>>) attributes {dimension_semantics = [#tpu.dimension_semantics<core_parallel>, #tpu.dimension_semantics<subcore_parallel>], iteration_bounds = array<i64: 2, 16>, scalar_prefetch = 0 : i64, scratch_operands = 11 : i64, tpu.core_type = #tpu.core_type<sc_vector_subcore>, window_params = [{transform_indices = #map}, {transform_indices = #map}, {transform_indices = #map1}, {transform_indices = #map1}, {transform_indices = #map}]} {
    %mul3A = arith.constant 16 : i32
    %mul3A_0 = arith.muli %arg0, %mul3A : i32
    %add3A = arith.addi %mul3A_0, %arg1 : i32
    %mul3A_1 = arith.constant 10080 : i32
    %mul3A_2 = arith.muli %add3A, %mul3A_1 : i32
    %mul3A_3 = arith.constant 625 : i32
    %mul3A_4 = arith.muli %arg1, %mul3A_3 : i32
    %broadcast_in_dim3A = arith.constant 0.000000e+00 : f32
    %broadcast_in_dim3A_5 = vector.broadcast %broadcast_in_dim3A : f32 to vector<16xf32>
    %iota3A = tpu.iota {dimensions = array<i32: 0>} : vector<16xi32>
    %scan3A = arith.constant 0 : i32
    %scan3A_6 = arith.constant 0 : i32
    %scan3A_7 = arith.constant 48 : i32
    %scan3A_8 = arith.addi %scan3A_6, %scan3A_7 : i32
    %scan3A_9 = arith.constant 1 : i32
    %scan3A_10 = scf.for %scan3A_185 = %scan3A_6 to %scan3A_8 step %scan3A_9 iter_args(%scan3A_186 = %scan3A) -> (i32)  : i32 {
      %swap3A = arith.index_cast %scan3A_185 : i32 to index
      %swap3A_187 = arith.constant 0 : index
      %swap3A_188 = tpu.vector_load %arg11[%swap3A, %swap3A_187] {strides = array<i32>} : memref<48x136xf32, #tpu.memory_space<vmem>>, vector<16xf32>,
      tpu.vector_store %arg11[%swap3A, %swap3A_187], %broadcast_in_dim3A_5 {strides = array<i32>} : memref<48x136xf32, #tpu.memory_space<vmem>>, vector<16xf32>,
      %swap3A_189 = arith.index_cast %scan3A_185 : i32 to index
      %swap3A_190 = arith.constant 16 : index
      %swap3A_191 = tpu.vector_load %arg11[%swap3A_189, %swap3A_190] {strides = array<i32>} : memref<48x136xf32, #tpu.memory_space<vmem>>, vector<16xf32>,
      tpu.vector_store %arg11[%swap3A_189, %swap3A_190], %broadcast_in_dim3A_5 {strides = array<i32>} : memref<48x136xf32, #tpu.memory_space<vmem>>, vector<16xf32>,
      %swap3A_192 = arith.index_cast %scan3A_185 : i32 to index
      %swap3A_193 = arith.constant 32 : index
      %swap3A_194 = tpu.vector_load %arg11[%swap3A_192, %swap3A_193] {strides = array<i32>} : memref<48x136xf32, #tpu.memory_space<vmem>>, vector<16xf32>,
      tpu.vector_store %arg11[%swap3A_192, %swap3A_193], %broadcast_in_dim3A_5 {strides = array<i32>} : memref<48x136xf32, #tpu.memory_space<vmem>>, vector<16xf32>,
      %swap3A_195 = arith.index_cast %scan3A_185 : i32 to index
      %swap3A_196 = arith.constant 48 : index
      %swap3A_197 = tpu.vector_load %arg11[%swap3A_195, %swap3A_196] {strides = array<i32>} : memref<48x136xf32, #tpu.memory_space<vmem>>, vector<16xf32>,
      tpu.vector_store %arg11[%swap3A_195, %swap3A_196], %broadcast_in_dim3A_5 {strides = array<i32>} : memref<48x136xf32, #tpu.memory_space<vmem>>, vector<16xf32>,
      %swap3A_198 = arith.index_cast %scan3A_185 : i32 to index
      %swap3A_199 = arith.constant 64 : index
      %swap3A_200 = tpu.vector_load %arg11[%swap3A_198, %swap3A_199] {strides = array<i32>} : memref<48x136xf32, #tpu.memory_space<vmem>>, vector<16xf32>,
      tpu.vector_store %arg11[%swap3A_198, %swap3A_199], %broadcast_in_dim3A_5 {strides = array<i32>} : memref<48x136xf32, #tpu.memory_space<vmem>>, vector<16xf32>,
      %swap3A_201 = arith.index_cast %scan3A_185 : i32 to index
      %swap3A_202 = arith.constant 80 : index
      %swap3A_203 = tpu.vector_load %arg11[%swap3A_201, %swap3A_202] {strides = array<i32>} : memref<48x136xf32, #tpu.memory_space<vmem>>, vector<16xf32>,
      tpu.vector_store %arg11[%swap3A_201, %swap3A_202], %broadcast_in_dim3A_5 {strides = array<i32>} : memref<48x136xf32, #tpu.memory_space<vmem>>, vector<16xf32>,
      %swap3A_204 = arith.index_cast %scan3A_185 : i32 to index
      %swap3A_205 = arith.constant 96 : index
      %swap3A_206 = tpu.vector_load %arg11[%swap3A_204, %swap3A_205] {strides = array<i32>} : memref<48x136xf32, #tpu.memory_space<vmem>>, vector<16xf32>,
      tpu.vector_store %arg11[%swap3A_204, %swap3A_205], %broadcast_in_dim3A_5 {strides = array<i32>} : memref<48x136xf32, #tpu.memory_space<vmem>>, vector<16xf32>,
      %swap3A_207 = arith.index_cast %scan3A_185 : i32 to index
      %swap3A_208 = arith.constant 112 : index
      %swap3A_209 = tpu.vector_load %arg11[%swap3A_207, %swap3A_208] {strides = array<i32>} : memref<48x136xf32, #tpu.memory_space<vmem>>, vector<16xf32>,
      tpu.vector_store %arg11[%swap3A_207, %swap3A_208], %broadcast_in_dim3A_5 {strides = array<i32>} : memref<48x136xf32, #tpu.memory_space<vmem>>, vector<16xf32>,
      %swap3A_210 = arith.index_cast %scan3A_185 : i32 to index
      %swap3A_211 = arith.constant 120 : index
      %swap3A_212 = tpu.vector_load %arg11[%swap3A_210, %swap3A_211] {strides = array<i32>} : memref<48x136xf32, #tpu.memory_space<vmem>>, vector<16xf32>,
      tpu.vector_store %arg11[%swap3A_210, %swap3A_211], %broadcast_in_dim3A_5 {strides = array<i32>} : memref<48x136xf32, #tpu.memory_space<vmem>>, vector<16xf32>,
      %scan3A_213 = arith.constant 0 : i32
      scf.yield %scan3A_213 : i32
    }
    %scan3A_11 = arith.constant 48 : i32
    %add3A_12 = arith.constant 0 : i32
    %add3A_13 = arith.addi %mul3A_4, %add3A_12 : i32
    "tpu.region"() ({
      %run_scoped3A = tpu.sem_alloc : memref<!tpu.dma_semaphore, #tpu.memory_space<semaphore_mem>>
      %dma_start3A_185 = arith.constant 0 : i32
      %dma_start3A_186 = tpu.memref_slice %arg12[%add3A_13, %dma_start3A_185] : memref<10080x136xf32, #tpu.memory_space<vmem_shared>> -> memref<48x136xf32, #tpu.memory_space<vmem_shared>>
      %dma_start3A_187 = arith.constant 0 : i32
      %dma_start3A_188 = tpu.memref_slice %arg12[%add3A_13, %dma_start3A_187] : memref<10080x136xf32, #tpu.memory_space<vmem_shared>> -> memref<48x136xf32, #tpu.memory_space<vmem_shared>>
      tpu.enqueue_dma source(%arg11 : memref<48x136xf32, #tpu.memory_space<vmem>>) target(%dma_start3A_188 : memref<48x136xf32, #tpu.memory_space<vmem_shared>>) target_semaphore(%run_scoped3A : memref<!tpu.dma_semaphore, #tpu.memory_space<semaphore_mem>>)
      %dma_wait3A_189 = arith.constant 0 : i32
      %dma_wait3A_190 = tpu.memref_slice %arg12[%add3A_13, %dma_wait3A_189] : memref<10080x136xf32, #tpu.memory_space<vmem_shared>> -> memref<48x136xf32, #tpu.memory_space<vmem_shared>>
      %dma_wait3A_191 = arith.constant 0 : i32
      %dma_wait3A_192 = tpu.memref_slice %arg12[%add3A_13, %dma_wait3A_191] : memref<10080x136xf32, #tpu.memory_space<vmem_shared>> -> memref<48x136xf32, #tpu.memory_space<vmem_shared>>
      tpu.wait_dma2 semaphore(%run_scoped3A : memref<!tpu.dma_semaphore, #tpu.memory_space<semaphore_mem>>) src(%arg11 : memref<48x136xf32, #tpu.memory_space<vmem>>) dst(%dma_wait3A_192 : memref<48x136xf32, #tpu.memory_space<vmem_shared>>)
      tpu.yield
    }) : () -> ()
    %add3A_14 = arith.constant 48 : i32
    %add3A_15 = arith.addi %mul3A_4, %add3A_14 : i32
    "tpu.region"() ({
      %run_scoped3A = tpu.sem_alloc : memref<!tpu.dma_semaphore, #tpu.memory_space<semaphore_mem>>
      %dma_start3A_185 = arith.constant 0 : i32
      %dma_start3A_186 = tpu.memref_slice %arg12[%add3A_15, %dma_start3A_185] : memref<10080x136xf32, #tpu.memory_space<vmem_shared>> -> memref<48x136xf32, #tpu.memory_space<vmem_shared>>
      %dma_start3A_187 = arith.constant 0 : i32
      %dma_start3A_188 = tpu.memref_slice %arg12[%add3A_15, %dma_start3A_187] : memref<10080x136xf32, #tpu.memory_space<vmem_shared>> -> memref<48x136xf32, #tpu.memory_space<vmem_shared>>
      tpu.enqueue_dma source(%arg11 : memref<48x136xf32, #tpu.memory_space<vmem>>) target(%dma_start3A_188 : memref<48x136xf32, #tpu.memory_space<vmem_shared>>) target_semaphore(%run_scoped3A : memref<!tpu.dma_semaphore, #tpu.memory_space<semaphore_mem>>)
      %dma_wait3A_189 = arith.constant 0 : i32
      %dma_wait3A_190 = tpu.memref_slice %arg12[%add3A_15, %dma_wait3A_189] : memref<10080x136xf32, #tpu.memory_space<vmem_shared>> -> memref<48x136xf32, #tpu.memory_space<vmem_shared>>
      %dma_wait3A_191 = arith.constant 0 : i32
      %dma_wait3A_192 = tpu.memref_slice %arg12[%add3A_15, %dma_wait3A_191] : memref<10080x136xf32, #tpu.memory_space<vmem_shared>> -> memref<48x136xf32, #tpu.memory_space<vmem_shared>>
      tpu.wait_dma2 semaphore(%run_scoped3A : memref<!tpu.dma_semaphore, #tpu.memory_space<semaphore_mem>>) src(%arg11 : memref<48x136xf32, #tpu.memory_space<vmem>>) dst(%dma_wait3A_192 : memref<48x136xf32, #tpu.memory_space<vmem_shared>>)
      tpu.yield
    }) : () -> ()
    %add3A_16 = arith.constant 96 : i32
    %add3A_17 = arith.addi %mul3A_4, %add3A_16 : i32
    "tpu.region"() ({
      %run_scoped3A = tpu.sem_alloc : memref<!tpu.dma_semaphore, #tpu.memory_space<semaphore_mem>>
      %dma_start3A_185 = arith.constant 0 : i32
      %dma_start3A_186 = tpu.memref_slice %arg12[%add3A_17, %dma_start3A_185] : memref<10080x136xf32, #tpu.memory_space<vmem_shared>> -> memref<48x136xf32, #tpu.memory_space<vmem_shared>>
      %dma_start3A_187 = arith.constant 0 : i32
      %dma_start3A_188 = tpu.memref_slice %arg12[%add3A_17, %dma_start3A_187] : memref<10080x136xf32, #tpu.memory_space<vmem_shared>> -> memref<48x136xf32, #tpu.memory_space<vmem_shared>>
      tpu.enqueue_dma source(%arg11 : memref<48x136xf32, #tpu.memory_space<vmem>>) target(%dma_start3A_188 : memref<48x136xf32, #tpu.memory_space<vmem_shared>>) target_semaphore(%run_scoped3A : memref<!tpu.dma_semaphore, #tpu.memory_space<semaphore_mem>>)
      %dma_wait3A_189 = arith.constant 0 : i32
      %dma_wait3A_190 = tpu.memref_slice %arg12[%add3A_17, %dma_wait3A_189] : memref<10080x136xf32, #tpu.memory_space<vmem_shared>> -> memref<48x136xf32, #tpu.memory_space<vmem_shared>>
      %dma_wait3A_191 = arith.constant 0 : i32
      %dma_wait3A_192 = tpu.memref_slice %arg12[%add3A_17, %dma_wait3A_191] : memref<10080x136xf32, #tpu.memory_space<vmem_shared>> -> memref<48x136xf32, #tpu.memory_space<vmem_shared>>
      tpu.wait_dma2 semaphore(%run_scoped3A : memref<!tpu.dma_semaphore, #tpu.memory_space<semaphore_mem>>) src(%arg11 : memref<48x136xf32, #tpu.memory_space<vmem>>) dst(%dma_wait3A_192 : memref<48x136xf32, #tpu.memory_space<vmem_shared>>)
      tpu.yield
    }) : () -> ()
    %add3A_18 = arith.constant 144 : i32
    %add3A_19 = arith.addi %mul3A_4, %add3A_18 : i32
    "tpu.region"() ({
      %run_scoped3A = tpu.sem_alloc : memref<!tpu.dma_semaphore, #tpu.memory_space<semaphore_mem>>
      %dma_start3A_185 = arith.constant 0 : i32
      %dma_start3A_186 = tpu.memref_slice %arg12[%add3A_19, %dma_start3A_185] : memref<10080x136xf32, #tpu.memory_space<vmem_shared>> -> memref<48x136xf32, #tpu.memory_space<vmem_shared>>
      %dma_start3A_187 = arith.constant 0 : i32
      %dma_start3A_188 = tpu.memref_slice %arg12[%add3A_19, %dma_start3A_187] : memref<10080x136xf32, #tpu.memory_space<vmem_shared>> -> memref<48x136xf32, #tpu.memory_space<vmem_shared>>
      tpu.enqueue_dma source(%arg11 : memref<48x136xf32, #tpu.memory_space<vmem>>) target(%dma_start3A_188 : memref<48x136xf32, #tpu.memory_space<vmem_shared>>) target_semaphore(%run_scoped3A : memref<!tpu.dma_semaphore, #tpu.memory_space<semaphore_mem>>)
      %dma_wait3A_189 = arith.constant 0 : i32
      %dma_wait3A_190 = tpu.memref_slice %arg12[%add3A_19, %dma_wait3A_189] : memref<10080x136xf32, #tpu.memory_space<vmem_shared>> -> memref<48x136xf32, #tpu.memory_space<vmem_shared>>
      %dma_wait3A_191 = arith.constant 0 : i32
      %dma_wait3A_192 = tpu.memref_slice %arg12[%add3A_19, %dma_wait3A_191] : memref<10080x136xf32, #tpu.memory_space<vmem_shared>> -> memref<48x136xf32, #tpu.memory_space<vmem_shared>>
      tpu.wait_dma2 semaphore(%run_scoped3A : memref<!tpu.dma_semaphore, #tpu.memory_space<semaphore_mem>>) src(%arg11 : memref<48x136xf32, #tpu.memory_space<vmem>>) dst(%dma_wait3A_192 : memref<48x136xf32, #tpu.memory_space<vmem_shared>>)
      tpu.yield
    }) : () -> ()
    %add3A_20 = arith.constant 192 : i32
    %add3A_21 = arith.addi %mul3A_4, %add3A_20 : i32
    "tpu.region"() ({
      %run_scoped3A = tpu.sem_alloc : memref<!tpu.dma_semaphore, #tpu.memory_space<semaphore_mem>>
      %dma_start3A_185 = arith.constant 0 : i32
      %dma_start3A_186 = tpu.memref_slice %arg12[%add3A_21, %dma_start3A_185] : memref<10080x136xf32, #tpu.memory_space<vmem_shared>> -> memref<48x136xf32, #tpu.memory_space<vmem_shared>>
      %dma_start3A_187 = arith.constant 0 : i32
      %dma_start3A_188 = tpu.memref_slice %arg12[%add3A_21, %dma_start3A_187] : memref<10080x136xf32, #tpu.memory_space<vmem_shared>> -> memref<48x136xf32, #tpu.memory_space<vmem_shared>>
      tpu.enqueue_dma source(%arg11 : memref<48x136xf32, #tpu.memory_space<vmem>>) target(%dma_start3A_188 : memref<48x136xf32, #tpu.memory_space<vmem_shared>>) target_semaphore(%run_scoped3A : memref<!tpu.dma_semaphore, #tpu.memory_space<semaphore_mem>>)
      %dma_wait3A_189 = arith.constant 0 : i32
      %dma_wait3A_190 = tpu.memref_slice %arg12[%add3A_21, %dma_wait3A_189] : memref<10080x136xf32, #tpu.memory_space<vmem_shared>> -> memref<48x136xf32, #tpu.memory_space<vmem_shared>>
      %dma_wait3A_191 = arith.constant 0 : i32
      %dma_wait3A_192 = tpu.memref_slice %arg12[%add3A_21, %dma_wait3A_191] : memref<10080x136xf32, #tpu.memory_space<vmem_shared>> -> memref<48x136xf32, #tpu.memory_space<vmem_shared>>
      tpu.wait_dma2 semaphore(%run_scoped3A : memref<!tpu.dma_semaphore, #tpu.memory_space<semaphore_mem>>) src(%arg11 : memref<48x136xf32, #tpu.memory_space<vmem>>) dst(%dma_wait3A_192 : memref<48x136xf32, #tpu.memory_space<vmem_shared>>)
      tpu.yield
    }) : () -> ()
    %add3A_22 = arith.constant 240 : i32
    %add3A_23 = arith.addi %mul3A_4, %add3A_22 : i32
    "tpu.region"() ({
      %run_scoped3A = tpu.sem_alloc : memref<!tpu.dma_semaphore, #tpu.memory_space<semaphore_mem>>
      %dma_start3A_185 = arith.constant 0 : i32
      %dma_start3A_186 = tpu.memref_slice %arg12[%add3A_23, %dma_start3A_185] : memref<10080x136xf32, #tpu.memory_space<vmem_shared>> -> memref<48x136xf32, #tpu.memory_space<vmem_shared>>
      %dma_start3A_187 = arith.constant 0 : i32
      %dma_start3A_188 = tpu.memref_slice %arg12[%add3A_23, %dma_start3A_187] : memref<10080x136xf32, #tpu.memory_space<vmem_shared>> -> memref<48x136xf32, #tpu.memory_space<vmem_shared>>
      tpu.enqueue_dma source(%arg11 : memref<48x136xf32, #tpu.memory_space<vmem>>) target(%dma_start3A_188 : memref<48x136xf32, #tpu.memory_space<vmem_shared>>) target_semaphore(%run_scoped3A : memref<!tpu.dma_semaphore, #tpu.memory_space<semaphore_mem>>)
      %dma_wait3A_189 = arith.constant 0 : i32
      %dma_wait3A_190 = tpu.memref_slice %arg12[%add3A_23, %dma_wait3A_189] : memref<10080x136xf32, #tpu.memory_space<vmem_shared>> -> memref<48x136xf32, #tpu.memory_space<vmem_shared>>
      %dma_wait3A_191 = arith.constant 0 : i32
      %dma_wait3A_192 = tpu.memref_slice %arg12[%add3A_23, %dma_wait3A_191] : memref<10080x136xf32, #tpu.memory_space<vmem_shared>> -> memref<48x136xf32, #tpu.memory_space<vmem_shared>>
      tpu.wait_dma2 semaphore(%run_scoped3A : memref<!tpu.dma_semaphore, #tpu.memory_space<semaphore_mem>>) src(%arg11 : memref<48x136xf32, #tpu.memory_space<vmem>>) dst(%dma_wait3A_192 : memref<48x136xf32, #tpu.memory_space<vmem_shared>>)
      tpu.yield
    }) : () -> ()
    %add3A_24 = arith.constant 288 : i32
    %add3A_25 = arith.addi %mul3A_4, %add3A_24 : i32
    "tpu.region"() ({
      %run_scoped3A = tpu.sem_alloc : memref<!tpu.dma_semaphore, #tpu.memory_space<semaphore_mem>>
      %dma_start3A_185 = arith.constant 0 : i32
      %dma_start3A_186 = tpu.memref_slice %arg12[%add3A_25, %dma_start3A_185] : memref<10080x136xf32, #tpu.memory_space<vmem_shared>> -> memref<48x136xf32, #tpu.memory_space<vmem_shared>>
      %dma_start3A_187 = arith.constant 0 : i32
      %dma_start3A_188 = tpu.memref_slice %arg12[%add3A_25, %dma_start3A_187] : memref<10080x136xf32, #tpu.memory_space<vmem_shared>> -> memref<48x136xf32, #tpu.memory_space<vmem_shared>>
      tpu.enqueue_dma source(%arg11 : memref<48x136xf32, #tpu.memory_space<vmem>>) target(%dma_start3A_188 : memref<48x136xf32, #tpu.memory_space<vmem_shared>>) target_semaphore(%run_scoped3A : memref<!tpu.dma_semaphore, #tpu.memory_space<semaphore_mem>>)
      %dma_wait3A_189 = arith.constant 0 : i32
      %dma_wait3A_190 = tpu.memref_slice %arg12[%add3A_25, %dma_wait3A_189] : memref<10080x136xf32, #tpu.memory_space<vmem_shared>> -> memref<48x136xf32, #tpu.memory_space<vmem_shared>>
      %dma_wait3A_191 = arith.constant 0 : i32
      %dma_wait3A_192 = tpu.memref_slice %arg12[%add3A_25, %dma_wait3A_191] : memref<10080x136xf32, #tpu.memory_space<vmem_shared>> -> memref<48x136xf32, #tpu.memory_space<vmem_shared>>
      tpu.wait_dma2 semaphore(%run_scoped3A : memref<!tpu.dma_semaphore, #tpu.memory_space<semaphore_mem>>) src(%arg11 : memref<48x136xf32, #tpu.memory_space<vmem>>) dst(%dma_wait3A_192 : memref<48x136xf32, #tpu.memory_space<vmem_shared>>)
      tpu.yield
    }) : () -> ()
    %add3A_26 = arith.constant 336 : i32
    %add3A_27 = arith.addi %mul3A_4, %add3A_26 : i32
    "tpu.region"() ({
      %run_scoped3A = tpu.sem_alloc : memref<!tpu.dma_semaphore, #tpu.memory_space<semaphore_mem>>
      %dma_start3A_185 = arith.constant 0 : i32
      %dma_start3A_186 = tpu.memref_slice %arg12[%add3A_27, %dma_start3A_185] : memref<10080x136xf32, #tpu.memory_space<vmem_shared>> -> memref<48x136xf32, #tpu.memory_space<vmem_shared>>
      %dma_start3A_187 = arith.constant 0 : i32
      %dma_start3A_188 = tpu.memref_slice %arg12[%add3A_27, %dma_start3A_187] : memref<10080x136xf32, #tpu.memory_space<vmem_shared>> -> memref<48x136xf32, #tpu.memory_space<vmem_shared>>
      tpu.enqueue_dma source(%arg11 : memref<48x136xf32, #tpu.memory_space<vmem>>) target(%dma_start3A_188 : memref<48x136xf32, #tpu.memory_space<vmem_shared>>) target_semaphore(%run_scoped3A : memref<!tpu.dma_semaphore, #tpu.memory_space<semaphore_mem>>)
      %dma_wait3A_189 = arith.constant 0 : i32
      %dma_wait3A_190 = tpu.memref_slice %arg12[%add3A_27, %dma_wait3A_189] : memref<10080x136xf32, #tpu.memory_space<vmem_shared>> -> memref<48x136xf32, #tpu.memory_space<vmem_shared>>
      %dma_wait3A_191 = arith.constant 0 : i32
      %dma_wait3A_192 = tpu.memref_slice %arg12[%add3A_27, %dma_wait3A_191] : memref<10080x136xf32, #tpu.memory_space<vmem_shared>> -> memref<48x136xf32, #tpu.memory_space<vmem_shared>>
      tpu.wait_dma2 semaphore(%run_scoped3A : memref<!tpu.dma_semaphore, #tpu.memory_space<semaphore_mem>>) src(%arg11 : memref<48x136xf32, #tpu.memory_space<vmem>>) dst(%dma_wait3A_192 : memref<48x136xf32, #tpu.memory_space<vmem_shared>>)
      tpu.yield
    }) : () -> ()
    %add3A_28 = arith.constant 384 : i32
    %add3A_29 = arith.addi %mul3A_4, %add3A_28 : i32
    "tpu.region"() ({
      %run_scoped3A = tpu.sem_alloc : memref<!tpu.dma_semaphore, #tpu.memory_space<semaphore_mem>>
      %dma_start3A_185 = arith.constant 0 : i32
      %dma_start3A_186 = tpu.memref_slice %arg12[%add3A_29, %dma_start3A_185] : memref<10080x136xf32, #tpu.memory_space<vmem_shared>> -> memref<48x136xf32, #tpu.memory_space<vmem_shared>>
      %dma_start3A_187 = arith.constant 0 : i32
      %dma_start3A_188 = tpu.memref_slice %arg12[%add3A_29, %dma_start3A_187] : memref<10080x136xf32, #tpu.memory_space<vmem_shared>> -> memref<48x136xf32, #tpu.memory_space<vmem_shared>>
      tpu.enqueue_dma source(%arg11 : memref<48x136xf32, #tpu.memory_space<vmem>>) target(%dma_start3A_188 : memref<48x136xf32, #tpu.memory_space<vmem_shared>>) target_semaphore(%run_scoped3A : memref<!tpu.dma_semaphore, #tpu.memory_space<semaphore_mem>>)
      %dma_wait3A_189 = arith.constant 0 : i32
      %dma_wait3A_190 = tpu.memref_slice %arg12[%add3A_29, %dma_wait3A_189] : memref<10080x136xf32, #tpu.memory_space<vmem_shared>> -> memref<48x136xf32, #tpu.memory_space<vmem_shared>>
      %dma_wait3A_191 = arith.constant 0 : i32
      %dma_wait3A_192 = tpu.memref_slice %arg12[%add3A_29, %dma_wait3A_191] : memref<10080x136xf32, #tpu.memory_space<vmem_shared>> -> memref<48x136xf32, #tpu.memory_space<vmem_shared>>
      tpu.wait_dma2 semaphore(%run_scoped3A : memref<!tpu.dma_semaphore, #tpu.memory_space<semaphore_mem>>) src(%arg11 : memref<48x136xf32, #tpu.memory_space<vmem>>) dst(%dma_wait3A_192 : memref<48x136xf32, #tpu.memory_space<vmem_shared>>)
      tpu.yield
    }) : () -> ()
    %add3A_30 = arith.constant 432 : i32
    %add3A_31 = arith.addi %mul3A_4, %add3A_30 : i32
    "tpu.region"() ({
      %run_scoped3A = tpu.sem_alloc : memref<!tpu.dma_semaphore, #tpu.memory_space<semaphore_mem>>
      %dma_start3A_185 = arith.constant 0 : i32
      %dma_start3A_186 = tpu.memref_slice %arg12[%add3A_31, %dma_start3A_185] : memref<10080x136xf32, #tpu.memory_space<vmem_shared>> -> memref<48x136xf32, #tpu.memory_space<vmem_shared>>
      %dma_start3A_187 = arith.constant 0 : i32
      %dma_start3A_188 = tpu.memref_slice %arg12[%add3A_31, %dma_start3A_187] : memref<10080x136xf32, #tpu.memory_space<vmem_shared>> -> memref<48x136xf32, #tpu.memory_space<vmem_shared>>
      tpu.enqueue_dma source(%arg11 : memref<48x136xf32, #tpu.memory_space<vmem>>) target(%dma_start3A_188 : memref<48x136xf32, #tpu.memory_space<vmem_shared>>) target_semaphore(%run_scoped3A : memref<!tpu.dma_semaphore, #tpu.memory_space<semaphore_mem>>)
      %dma_wait3A_189 = arith.constant 0 : i32
      %dma_wait3A_190 = tpu.memref_slice %arg12[%add3A_31, %dma_wait3A_189] : memref<10080x136xf32, #tpu.memory_space<vmem_shared>> -> memref<48x136xf32, #tpu.memory_space<vmem_shared>>
      %dma_wait3A_191 = arith.constant 0 : i32
      %dma_wait3A_192 = tpu.memref_slice %arg12[%add3A_31, %dma_wait3A_191] : memref<10080x136xf32, #tpu.memory_space<vmem_shared>> -> memref<48x136xf32, #tpu.memory_space<vmem_shared>>
      tpu.wait_dma2 semaphore(%run_scoped3A : memref<!tpu.dma_semaphore, #tpu.memory_space<semaphore_mem>>) src(%arg11 : memref<48x136xf32, #tpu.memory_space<vmem>>) dst(%dma_wait3A_192 : memref<48x136xf32, #tpu.memory_space<vmem_shared>>)
      tpu.yield
    }) : () -> ()
    %add3A_32 = arith.constant 480 : i32
    %add3A_33 = arith.addi %mul3A_4, %add3A_32 : i32
    "tpu.region"() ({
      %run_scoped3A = tpu.sem_alloc : memref<!tpu.dma_semaphore, #tpu.memory_space<semaphore_mem>>
      %dma_start3A_185 = arith.constant 0 : i32
      %dma_start3A_186 = tpu.memref_slice %arg12[%add3A_33, %dma_start3A_185] : memref<10080x136xf32, #tpu.memory_space<vmem_shared>> -> memref<48x136xf32, #tpu.memory_space<vmem_shared>>
      %dma_start3A_187 = arith.constant 0 : i32
      %dma_start3A_188 = tpu.memref_slice %arg12[%add3A_33, %dma_start3A_187] : memref<10080x136xf32, #tpu.memory_space<vmem_shared>> -> memref<48x136xf32, #tpu.memory_space<vmem_shared>>
      tpu.enqueue_dma source(%arg11 : memref<48x136xf32, #tpu.memory_space<vmem>>) target(%dma_start3A_188 : memref<48x136xf32, #tpu.memory_space<vmem_shared>>) target_semaphore(%run_scoped3A : memref<!tpu.dma_semaphore, #tpu.memory_space<semaphore_mem>>)
      %dma_wait3A_189 = arith.constant 0 : i32
      %dma_wait3A_190 = tpu.memref_slice %arg12[%add3A_33, %dma_wait3A_189] : memref<10080x136xf32, #tpu.memory_space<vmem_shared>> -> memref<48x136xf32, #tpu.memory_space<vmem_shared>>
      %dma_wait3A_191 = arith.constant 0 : i32
      %dma_wait3A_192 = tpu.memref_slice %arg12[%add3A_33, %dma_wait3A_191] : memref<10080x136xf32, #tpu.memory_space<vmem_shared>> -> memref<48x136xf32, #tpu.memory_space<vmem_shared>>
      tpu.wait_dma2 semaphore(%run_scoped3A : memref<!tpu.dma_semaphore, #tpu.memory_space<semaphore_mem>>) src(%arg11 : memref<48x136xf32, #tpu.memory_space<vmem>>) dst(%dma_wait3A_192 : memref<48x136xf32, #tpu.memory_space<vmem_shared>>)
      tpu.yield
    }) : () -> ()
    %add3A_34 = arith.constant 528 : i32
    %add3A_35 = arith.addi %mul3A_4, %add3A_34 : i32
    "tpu.region"() ({
      %run_scoped3A = tpu.sem_alloc : memref<!tpu.dma_semaphore, #tpu.memory_space<semaphore_mem>>
      %dma_start3A_185 = arith.constant 0 : i32
      %dma_start3A_186 = tpu.memref_slice %arg12[%add3A_35, %dma_start3A_185] : memref<10080x136xf32, #tpu.memory_space<vmem_shared>> -> memref<48x136xf32, #tpu.memory_space<vmem_shared>>
      %dma_start3A_187 = arith.constant 0 : i32
      %dma_start3A_188 = tpu.memref_slice %arg12[%add3A_35, %dma_start3A_187] : memref<10080x136xf32, #tpu.memory_space<vmem_shared>> -> memref<48x136xf32, #tpu.memory_space<vmem_shared>>
      tpu.enqueue_dma source(%arg11 : memref<48x136xf32, #tpu.memory_space<vmem>>) target(%dma_start3A_188 : memref<48x136xf32, #tpu.memory_space<vmem_shared>>) target_semaphore(%run_scoped3A : memref<!tpu.dma_semaphore, #tpu.memory_space<semaphore_mem>>)
      %dma_wait3A_189 = arith.constant 0 : i32
      %dma_wait3A_190 = tpu.memref_slice %arg12[%add3A_35, %dma_wait3A_189] : memref<10080x136xf32, #tpu.memory_space<vmem_shared>> -> memref<48x136xf32, #tpu.memory_space<vmem_shared>>
      %dma_wait3A_191 = arith.constant 0 : i32
      %dma_wait3A_192 = tpu.memref_slice %arg12[%add3A_35, %dma_wait3A_191] : memref<10080x136xf32, #tpu.memory_space<vmem_shared>> -> memref<48x136xf32, #tpu.memory_space<vmem_shared>>
      tpu.wait_dma2 semaphore(%run_scoped3A : memref<!tpu.dma_semaphore, #tpu.memory_space<semaphore_mem>>) src(%arg11 : memref<48x136xf32, #tpu.memory_space<vmem>>) dst(%dma_wait3A_192 : memref<48x136xf32, #tpu.memory_space<vmem_shared>>)
      tpu.yield
    }) : () -> ()
    %add3A_36 = arith.constant 576 : i32
    %add3A_37 = arith.addi %mul3A_4, %add3A_36 : i32
    "tpu.region"() ({
      %run_scoped3A = tpu.sem_alloc : memref<!tpu.dma_semaphore, #tpu.memory_space<semaphore_mem>>
      %dma_start3A_185 = arith.constant 0 : i32
      %dma_start3A_186 = tpu.memref_slice %arg12[%add3A_37, %dma_start3A_185] : memref<10080x136xf32, #tpu.memory_space<vmem_shared>> -> memref<48x136xf32, #tpu.memory_space<vmem_shared>>
      %dma_start3A_187 = arith.constant 0 : i32
      %dma_start3A_188 = tpu.memref_slice %arg12[%add3A_37, %dma_start3A_187] : memref<10080x136xf32, #tpu.memory_space<vmem_shared>> -> memref<48x136xf32, #tpu.memory_space<vmem_shared>>
      tpu.enqueue_dma source(%arg11 : memref<48x136xf32, #tpu.memory_space<vmem>>) target(%dma_start3A_188 : memref<48x136xf32, #tpu.memory_space<vmem_shared>>) target_semaphore(%run_scoped3A : memref<!tpu.dma_semaphore, #tpu.memory_space<semaphore_mem>>)
      %dma_wait3A_189 = arith.constant 0 : i32
      %dma_wait3A_190 = tpu.memref_slice %arg12[%add3A_37, %dma_wait3A_189] : memref<10080x136xf32, #tpu.memory_space<vmem_shared>> -> memref<48x136xf32, #tpu.memory_space<vmem_shared>>
      %dma_wait3A_191 = arith.constant 0 : i32
      %dma_wait3A_192 = tpu.memref_slice %arg12[%add3A_37, %dma_wait3A_191] : memref<10080x136xf32, #tpu.memory_space<vmem_shared>> -> memref<48x136xf32, #tpu.memory_space<vmem_shared>>
      tpu.wait_dma2 semaphore(%run_scoped3A : memref<!tpu.dma_semaphore, #tpu.memory_space<semaphore_mem>>) src(%arg11 : memref<48x136xf32, #tpu.memory_space<vmem>>) dst(%dma_wait3A_192 : memref<48x136xf32, #tpu.memory_space<vmem_shared>>)
      tpu.yield
    }) : () -> ()
    %add3A_38 = arith.constant 624 : i32
    %add3A_39 = arith.addi %mul3A_4, %add3A_38 : i32
    "tpu.region"() ({
      %run_scoped3A = tpu.sem_alloc : memref<!tpu.dma_semaphore, #tpu.memory_space<semaphore_mem>>
      %dma_start3A_185 = arith.constant 0 : i32
      %dma_start3A_186 = arith.constant 0 : i32
      %dma_start3A_187 = tpu.memref_slice %arg11[%dma_start3A_185, %dma_start3A_186] : memref<48x136xf32, #tpu.memory_space<vmem>> -> memref<1x136xf32, #tpu.memory_space<vmem>>
      %dma_start3A_188 = arith.constant 0 : i32
      %dma_start3A_189 = tpu.memref_slice %arg12[%add3A_39, %dma_start3A_188] : memref<10080x136xf32, #tpu.memory_space<vmem_shared>> -> memref<1x136xf32, #tpu.memory_space<vmem_shared>>
      %dma_start3A_190 = arith.constant 0 : i32
      %dma_start3A_191 = tpu.memref_slice %arg12[%add3A_39, %dma_start3A_190] : memref<10080x136xf32, #tpu.memory_space<vmem_shared>> -> memref<1x136xf32, #tpu.memory_space<vmem_shared>>
      %dma_start3A_192 = arith.constant 0 : i32
      %dma_start3A_193 = arith.constant 0 : i32
      %dma_start3A_194 = tpu.memref_slice %arg11[%dma_start3A_192, %dma_start3A_193] : memref<48x136xf32, #tpu.memory_space<vmem>> -> memref<1x136xf32, #tpu.memory_space<vmem>>
      tpu.enqueue_dma source(%dma_start3A_194 : memref<1x136xf32, #tpu.memory_space<vmem>>) target(%dma_start3A_191 : memref<1x136xf32, #tpu.memory_space<vmem_shared>>) target_semaphore(%run_scoped3A : memref<!tpu.dma_semaphore, #tpu.memory_space<semaphore_mem>>)
      %dma_wait3A_195 = arith.constant 0 : i32
      %dma_wait3A_196 = arith.constant 0 : i32
      %dma_wait3A_197 = tpu.memref_slice %arg11[%dma_wait3A_195, %dma_wait3A_196] : memref<48x136xf32, #tpu.memory_space<vmem>> -> memref<1x136xf32, #tpu.memory_space<vmem>>
      %dma_wait3A_198 = arith.constant 0 : i32
      %dma_wait3A_199 = tpu.memref_slice %arg12[%add3A_39, %dma_wait3A_198] : memref<10080x136xf32, #tpu.memory_space<vmem_shared>> -> memref<1x136xf32, #tpu.memory_space<vmem_shared>>
      %dma_wait3A_200 = arith.constant 0 : i32
      %dma_wait3A_201 = tpu.memref_slice %arg12[%add3A_39, %dma_wait3A_200] : memref<10080x136xf32, #tpu.memory_space<vmem_shared>> -> memref<1x136xf32, #tpu.memory_space<vmem_shared>>
      %dma_wait3A_202 = arith.constant 0 : i32
      %dma_wait3A_203 = arith.constant 0 : i32
      %dma_wait3A_204 = tpu.memref_slice %arg11[%dma_wait3A_202, %dma_wait3A_203] : memref<48x136xf32, #tpu.memory_space<vmem>> -> memref<1x136xf32, #tpu.memory_space<vmem>>
      tpu.wait_dma2 semaphore(%run_scoped3A : memref<!tpu.dma_semaphore, #tpu.memory_space<semaphore_mem>>) src(%dma_wait3A_204 : memref<1x136xf32, #tpu.memory_space<vmem>>) dst(%dma_wait3A_201 : memref<1x136xf32, #tpu.memory_space<vmem_shared>>)
      tpu.yield
    }) : () -> ()
    %barrier3A = arith.constant 0 : index
    tpu.barrier barrier_id(%barrier3A)
    %rem3A = arith.constant 0 : i32
    %rem3A_40 = arith.constant 3 : i32
    %rem3A_41 = arith.remsi %rem3A, %rem3A_40 : i32
    %mul3A_42 = arith.constant 0 : i32
    %mul3A_43 = arith.constant 48 : i32
    %mul3A_44 = arith.muli %mul3A_42, %mul3A_43 : i32
    %add3A_45 = arith.addi %mul3A_2, %mul3A_44 : i32
    %dma_start3A = arith.constant 0 : i32
    %dma_start3A_46 = tpu.memref_slice %arg7[%rem3A_41, %dma_start3A] : memref<3x48xi32, #tpu.memory_space<vmem>> -> memref<1x48xi32, #tpu.memory_space<vmem>>
    %dma_start3A_47 = tpu.memref_squeeze %dma_start3A_46 : memref<1x48xi32, #tpu.memory_space<vmem>> -> memref<48xi32, #tpu.memory_space<vmem>>
    %dma_start3A_48 = tpu.memref_slice %arg4[%add3A_45] : memref<322560xi32, #tpu.memory_space<hbm>> -> memref<48xi32, #tpu.memory_space<hbm>>
    %dma_start3A_49 = tpu.memref_slice %arg15[%rem3A_41] : memref<3x!tpu.dma_semaphore, #tpu.memory_space<semaphore_mem>> -> memref<1x!tpu.dma_semaphore, #tpu.memory_space<semaphore_mem>>
    %dma_start3A_50 = tpu.memref_squeeze %dma_start3A_49 : memref<1x!tpu.dma_semaphore, #tpu.memory_space<semaphore_mem>> -> memref<!tpu.dma_semaphore, #tpu.memory_space<semaphore_mem>>
    %dma_start3A_51 = arith.constant 0 : i32
    %dma_start3A_52 = tpu.memref_slice %arg7[%rem3A_41, %dma_start3A_51] : memref<3x48xi32, #tpu.memory_space<vmem>> -> memref<1x48xi32, #tpu.memory_space<vmem>>
    %dma_start3A_53 = tpu.memref_squeeze %dma_start3A_52 : memref<1x48xi32, #tpu.memory_space<vmem>> -> memref<48xi32, #tpu.memory_space<vmem>>
    %dma_start3A_54 = tpu.memref_slice %arg4[%add3A_45] : memref<322560xi32, #tpu.memory_space<hbm>> -> memref<48xi32, #tpu.memory_space<hbm>>
    tpu.enqueue_dma source(%dma_start3A_54 : memref<48xi32, #tpu.memory_space<hbm>>) target(%dma_start3A_53 : memref<48xi32, #tpu.memory_space<vmem>>) target_semaphore(%dma_start3A_50 : memref<!tpu.dma_semaphore, #tpu.memory_space<semaphore_mem>>)
    %dma_start3A_55 = arith.constant 0 : i32
    %dma_start3A_56 = tpu.memref_slice %arg8[%rem3A_41, %dma_start3A_55] : memref<3x48xi32, #tpu.memory_space<vmem>> -> memref<1x48xi32, #tpu.memory_space<vmem>>
    %dma_start3A_57 = tpu.memref_squeeze %dma_start3A_56 : memref<1x48xi32, #tpu.memory_space<vmem>> -> memref<48xi32, #tpu.memory_space<vmem>>
    %dma_start3A_58 = tpu.memref_slice %arg5[%add3A_45] : memref<322560xi32, #tpu.memory_space<hbm>> -> memref<48xi32, #tpu.memory_space<hbm>>
    %dma_start3A_59 = tpu.memref_slice %arg16[%rem3A_41] : memref<3x!tpu.dma_semaphore, #tpu.memory_space<semaphore_mem>> -> memref<1x!tpu.dma_semaphore, #tpu.memory_space<semaphore_mem>>
    %dma_start3A_60 = tpu.memref_squeeze %dma_start3A_59 : memref<1x!tpu.dma_semaphore, #tpu.memory_space<semaphore_mem>> -> memref<!tpu.dma_semaphore, #tpu.memory_space<semaphore_mem>>
    %dma_start3A_61 = arith.constant 0 : i32
    %dma_start3A_62 = tpu.memref_slice %arg8[%rem3A_41, %dma_start3A_61] : memref<3x48xi32, #tpu.memory_space<vmem>> -> memref<1x48xi32, #tpu.memory_space<vmem>>
    %dma_start3A_63 = tpu.memref_squeeze %dma_start3A_62 : memref<1x48xi32, #tpu.memory_space<vmem>> -> memref<48xi32, #tpu.memory_space<vmem>>
    %dma_start3A_64 = tpu.memref_slice %arg5[%add3A_45] : memref<322560xi32, #tpu.memory_space<hbm>> -> memref<48xi32, #tpu.memory_space<hbm>>
    tpu.enqueue_dma source(%dma_start3A_64 : memref<48xi32, #tpu.memory_space<hbm>>) target(%dma_start3A_63 : memref<48xi32, #tpu.memory_space<vmem>>) target_semaphore(%dma_start3A_60 : memref<!tpu.dma_semaphore, #tpu.memory_space<semaphore_mem>>)
    %rem3A_65 = arith.constant 1 : i32
    %rem3A_66 = arith.constant 3 : i32
    %rem3A_67 = arith.remsi %rem3A_65, %rem3A_66 : i32
    %mul3A_68 = arith.constant 1 : i32
    %mul3A_69 = arith.constant 48 : i32
    %mul3A_70 = arith.muli %mul3A_68, %mul3A_69 : i32
    %add3A_71 = arith.addi %mul3A_2, %mul3A_70 : i32
    %dma_start3A_72 = arith.constant 0 : i32
    %dma_start3A_73 = tpu.memref_slice %arg7[%rem3A_67, %dma_start3A_72] : memref<3x48xi32, #tpu.memory_space<vmem>> -> memref<1x48xi32, #tpu.memory_space<vmem>>
    %dma_start3A_74 = tpu.memref_squeeze %dma_start3A_73 : memref<1x48xi32, #tpu.memory_space<vmem>> -> memref<48xi32, #tpu.memory_space<vmem>>
    %dma_start3A_75 = tpu.memref_slice %arg4[%add3A_71] : memref<322560xi32, #tpu.memory_space<hbm>> -> memref<48xi32, #tpu.memory_space<hbm>>
    %dma_start3A_76 = tpu.memref_slice %arg15[%rem3A_67] : memref<3x!tpu.dma_semaphore, #tpu.memory_space<semaphore_mem>> -> memref<1x!tpu.dma_semaphore, #tpu.memory_space<semaphore_mem>>
    %dma_start3A_77 = tpu.memref_squeeze %dma_start3A_76 : memref<1x!tpu.dma_semaphore, #tpu.memory_space<semaphore_mem>> -> memref<!tpu.dma_semaphore, #tpu.memory_space<semaphore_mem>>
    %dma_start3A_78 = arith.constant 0 : i32
    %dma_start3A_79 = tpu.memref_slice %arg7[%rem3A_67, %dma_start3A_78] : memref<3x48xi32, #tpu.memory_space<vmem>> -> memref<1x48xi32, #tpu.memory_space<vmem>>
    %dma_start3A_80 = tpu.memref_squeeze %dma_start3A_79 : memref<1x48xi32, #tpu.memory_space<vmem>> -> memref<48xi32, #tpu.memory_space<vmem>>
    %dma_start3A_81 = tpu.memref_slice %arg4[%add3A_71] : memref<322560xi32, #tpu.memory_space<hbm>> -> memref<48xi32, #tpu.memory_space<hbm>>
    tpu.enqueue_dma source(%dma_start3A_81 : memref<48xi32, #tpu.memory_space<hbm>>) target(%dma_start3A_80 : memref<48xi32, #tpu.memory_space<vmem>>) target_semaphore(%dma_start3A_77 : memref<!tpu.dma_semaphore, #tpu.memory_space<semaphore_mem>>)
    %dma_start3A_82 = arith.constant 0 : i32
    %dma_start3A_83 = tpu.memref_slice %arg8[%rem3A_67, %dma_start3A_82] : memref<3x48xi32, #tpu.memory_space<vmem>> -> memref<1x48xi32, #tpu.memory_space<vmem>>
    %dma_start3A_84 = tpu.memref_squeeze %dma_start3A_83 : memref<1x48xi32, #tpu.memory_space<vmem>> -> memref<48xi32, #tpu.memory_space<vmem>>
    %dma_start3A_85 = tpu.memref_slice %arg5[%add3A_71] : memref<322560xi32, #tpu.memory_space<hbm>> -> memref<48xi32, #tpu.memory_space<hbm>>
    %dma_start3A_86 = tpu.memref_slice %arg16[%rem3A_67] : memref<3x!tpu.dma_semaphore, #tpu.memory_space<semaphore_mem>> -> memref<1x!tpu.dma_semaphore, #tpu.memory_space<semaphore_mem>>
    %dma_start3A_87 = tpu.memref_squeeze %dma_start3A_86 : memref<1x!tpu.dma_semaphore, #tpu.memory_space<semaphore_mem>> -> memref<!tpu.dma_semaphore, #tpu.memory_space<semaphore_mem>>
    %dma_start3A_88 = arith.constant 0 : i32
    %dma_start3A_89 = tpu.memref_slice %arg8[%rem3A_67, %dma_start3A_88] : memref<3x48xi32, #tpu.memory_space<vmem>> -> memref<1x48xi32, #tpu.memory_space<vmem>>
    %dma_start3A_90 = tpu.memref_squeeze %dma_start3A_89 : memref<1x48xi32, #tpu.memory_space<vmem>> -> memref<48xi32, #tpu.memory_space<vmem>>
    %dma_start3A_91 = tpu.memref_slice %arg5[%add3A_71] : memref<322560xi32, #tpu.memory_space<hbm>> -> memref<48xi32, #tpu.memory_space<hbm>>
    tpu.enqueue_dma source(%dma_start3A_91 : memref<48xi32, #tpu.memory_space<hbm>>) target(%dma_start3A_90 : memref<48xi32, #tpu.memory_space<vmem>>) target_semaphore(%dma_start3A_87 : memref<!tpu.dma_semaphore, #tpu.memory_space<semaphore_mem>>)
    %rem3A_92 = arith.constant 0 : i32
    %rem3A_93 = arith.constant 2 : i32
    %rem3A_94 = arith.remsi %rem3A_92, %rem3A_93 : i32
    %rem3A_95 = arith.constant 0 : i32
    %rem3A_96 = arith.constant 3 : i32
    %rem3A_97 = arith.remsi %rem3A_95, %rem3A_96 : i32
    %mul3A_98 = arith.constant 0 : i32
    %mul3A_99 = arith.constant 48 : i32
    %mul3A_100 = arith.muli %mul3A_98, %mul3A_99 : i32
    %add3A_101 = arith.addi %mul3A_2, %mul3A_100 : i32
    %mul3A_102 = arith.constant 48 : i32
    %mul3A_103 = arith.muli %rem3A_94, %mul3A_102 : i32
    %multiple_of3A = tpu.assume_multiple %mul3A_103, 8 : i32
    %dma_wait3A = arith.constant 0 : i32
    %dma_wait3A_104 = tpu.memref_slice %arg7[%rem3A_97, %dma_wait3A] : memref<3x48xi32, #tpu.memory_space<vmem>> -> memref<1x48xi32, #tpu.memory_space<vmem>>
    %dma_wait3A_105 = tpu.memref_squeeze %dma_wait3A_104 : memref<1x48xi32, #tpu.memory_space<vmem>> -> memref<48xi32, #tpu.memory_space<vmem>>
    %dma_wait3A_106 = tpu.memref_slice %arg4[%add3A_101] : memref<322560xi32, #tpu.memory_space<hbm>> -> memref<48xi32, #tpu.memory_space<hbm>>
    %dma_wait3A_107 = tpu.memref_slice %arg15[%rem3A_97] : memref<3x!tpu.dma_semaphore, #tpu.memory_space<semaphore_mem>> -> memref<1x!tpu.dma_semaphore, #tpu.memory_space<semaphore_mem>>
    %dma_wait3A_108 = tpu.memref_squeeze %dma_wait3A_107 : memref<1x!tpu.dma_semaphore, #tpu.memory_space<semaphore_mem>> -> memref<!tpu.dma_semaphore, #tpu.memory_space<semaphore_mem>>
    %dma_wait3A_109 = arith.constant 0 : i32
    %dma_wait3A_110 = tpu.memref_slice %arg7[%rem3A_97, %dma_wait3A_109] : memref<3x48xi32, #tpu.memory_space<vmem>> -> memref<1x48xi32, #tpu.memory_space<vmem>>
    %dma_wait3A_111 = tpu.memref_squeeze %dma_wait3A_110 : memref<1x48xi32, #tpu.memory_space<vmem>> -> memref<48xi32, #tpu.memory_space<vmem>>
    %dma_wait3A_112 = tpu.memref_slice %arg4[%add3A_101] : memref<322560xi32, #tpu.memory_space<hbm>> -> memref<48xi32, #tpu.memory_space<hbm>>
    tpu.wait_dma2 semaphore(%dma_wait3A_108 : memref<!tpu.dma_semaphore, #tpu.memory_space<semaphore_mem>>) src(%dma_wait3A_112 : memref<48xi32, #tpu.memory_space<hbm>>) dst(%dma_wait3A_111 : memref<48xi32, #tpu.memory_space<vmem>>)
    %dma_wait3A_113 = arith.constant 0 : i32
    %dma_wait3A_114 = tpu.memref_slice %arg8[%rem3A_97, %dma_wait3A_113] : memref<3x48xi32, #tpu.memory_space<vmem>> -> memref<1x48xi32, #tpu.memory_space<vmem>>
    %dma_wait3A_115 = tpu.memref_squeeze %dma_wait3A_114 : memref<1x48xi32, #tpu.memory_space<vmem>> -> memref<48xi32, #tpu.memory_space<vmem>>
    %dma_wait3A_116 = tpu.memref_slice %arg5[%add3A_101] : memref<322560xi32, #tpu.memory_space<hbm>> -> memref<48xi32, #tpu.memory_space<hbm>>
    %dma_wait3A_117 = tpu.memref_slice %arg16[%rem3A_97] : memref<3x!tpu.dma_semaphore, #tpu.memory_space<semaphore_mem>> -> memref<1x!tpu.dma_semaphore, #tpu.memory_space<semaphore_mem>>
    %dma_wait3A_118 = tpu.memref_squeeze %dma_wait3A_117 : memref<1x!tpu.dma_semaphore, #tpu.memory_space<semaphore_mem>> -> memref<!tpu.dma_semaphore, #tpu.memory_space<semaphore_mem>>
    %dma_wait3A_119 = arith.constant 0 : i32
    %dma_wait3A_120 = tpu.memref_slice %arg8[%rem3A_97, %dma_wait3A_119] : memref<3x48xi32, #tpu.memory_space<vmem>> -> memref<1x48xi32, #tpu.memory_space<vmem>>
    %dma_wait3A_121 = tpu.memref_squeeze %dma_wait3A_120 : memref<1x48xi32, #tpu.memory_space<vmem>> -> memref<48xi32, #tpu.memory_space<vmem>>
    %dma_wait3A_122 = tpu.memref_slice %arg5[%add3A_101] : memref<322560xi32, #tpu.memory_space<hbm>> -> memref<48xi32, #tpu.memory_space<hbm>>
    tpu.wait_dma2 semaphore(%dma_wait3A_118 : memref<!tpu.dma_semaphore, #tpu.memory_space<semaphore_mem>>) src(%dma_wait3A_122 : memref<48xi32, #tpu.memory_space<hbm>>) dst(%dma_wait3A_121 : memref<48xi32, #tpu.memory_space<vmem>>)
    %dma_start3A_123 = arith.constant 0 : i32
    %dma_start3A_124 = tpu.memref_slice %arg9[%multiple_of3A, %dma_start3A_123] : memref<96x128xf32, #tpu.memory_space<vmem>> -> memref<48x128xf32, #tpu.memory_space<vmem>>
    %dma_start3A_125 = arith.constant 0 : i32
    %dma_start3A_126 = tpu.memref_slice %arg8[%rem3A_97, %dma_start3A_125] : memref<3x48xi32, #tpu.memory_space<vmem>> -> memref<1x48xi32, #tpu.memory_space<vmem>>
    %dma_start3A_127 = tpu.memref_squeeze %dma_start3A_126 : memref<1x48xi32, #tpu.memory_space<vmem>> -> memref<48xi32, #tpu.memory_space<vmem>>
    %dma_start3A_128 = arith.constant 0 : i32
    %dma_start3A_129 = arith.constant 0 : i32
    %dma_start3A_130 = tpu.memref_slice %arg2[%dma_start3A_128, %dma_start3A_129] : memref<10080x128xf32, #tpu.memory_space<hbm>> -> memref<10080x128xf32, #tpu.memory_space<hbm>>
    %dma_start3A_131 = tpu.memref_slice %arg13[%rem3A_94] : memref<2x!tpu.dma_semaphore, #tpu.memory_space<semaphore_mem>> -> memref<1x!tpu.dma_semaphore, #tpu.memory_space<semaphore_mem>>
    %dma_start3A_132 = tpu.memref_squeeze %dma_start3A_131 : memref<1x!tpu.dma_semaphore, #tpu.memory_space<semaphore_mem>> -> memref<!tpu.dma_semaphore, #tpu.memory_space<semaphore_mem>>
    tpu.enqueue_indirect_dma source(%dma_start3A_130 : memref<10080x128xf32, #tpu.memory_space<hbm>>) target(%dma_start3A_124 : memref<48x128xf32, #tpu.memory_space<vmem>>) offsets(%dma_start3A_127 : memref<48xi32, #tpu.memory_space<vmem>>) semaphore(%dma_start3A_132 : memref<!tpu.dma_semaphore, #tpu.memory_space<semaphore_mem>>)
    %dma_start3A_133 = arith.constant 0 : i32
    %dma_start3A_134 = tpu.memref_slice %arg10[%multiple_of3A, %dma_start3A_133] : memref<96x256xf32, #tpu.memory_space<vmem>> -> memref<48x256xf32, #tpu.memory_space<vmem>>
    %dma_start3A_135 = arith.constant 0 : i32
    %dma_start3A_136 = tpu.memref_slice %arg7[%rem3A_97, %dma_start3A_135] : memref<3x48xi32, #tpu.memory_space<vmem>> -> memref<1x48xi32, #tpu.memory_space<vmem>>
    %dma_start3A_137 = tpu.memref_squeeze %dma_start3A_136 : memref<1x48xi32, #tpu.memory_space<vmem>> -> memref<48xi32, #tpu.memory_space<vmem>>
    %dma_start3A_138 = arith.constant 0 : i32
    %dma_start3A_139 = arith.constant 0 : i32
    %dma_start3A_140 = tpu.memref_slice %arg3[%dma_start3A_138, %dma_start3A_139] : memref<10000x256xf32, #tpu.memory_space<hbm>> -> memref<10000x256xf32, #tpu.memory_space<hbm>>
    %dma_start3A_141 = tpu.memref_slice %arg14[%rem3A_94] : memref<2x!tpu.dma_semaphore, #tpu.memory_space<semaphore_mem>> -> memref<1x!tpu.dma_semaphore, #tpu.memory_space<semaphore_mem>>
    %dma_start3A_142 = tpu.memref_squeeze %dma_start3A_141 : memref<1x!tpu.dma_semaphore, #tpu.memory_space<semaphore_mem>> -> memref<!tpu.dma_semaphore, #tpu.memory_space<semaphore_mem>>
    tpu.enqueue_indirect_dma source(%dma_start3A_140 : memref<10000x256xf32, #tpu.memory_space<hbm>>) target(%dma_start3A_134 : memref<48x256xf32, #tpu.memory_space<vmem>>) offsets(%dma_start3A_137 : memref<48xi32, #tpu.memory_space<vmem>>) semaphore(%dma_start3A_142 : memref<!tpu.dma_semaphore, #tpu.memory_space<semaphore_mem>>)
    %scan3A_143 = arith.constant 0 : i32
    %scan3A_144 = arith.constant 0 : i32
    %scan3A_145 = arith.constant 210 : i32
    %scan3A_146 = arith.addi %scan3A_144, %scan3A_145 : i32
    %scan3A_147 = arith.constant 1 : i32
    %scan3A_148 = scf.for %scan3A_185 = %scan3A_144 to %scan3A_146 step %scan3A_147 iter_args(%scan3A_186 = %scan3A_143) -> (i32)  : i32 {
      %gt3A = arith.constant 0 : i32
      %gt3A_187 = arith.cmpi sgt, %scan3A_185, %gt3A : i32
      %convert_element_type3A = arith.extui %gt3A_187 : i1 to i32
      %cond3A = arith.constant 0 : i32
      %cond3A_188 = arith.cmpi ne, %convert_element_type3A, %cond3A : i32
      scf.if %cond3A_188 {
        %sub3A = arith.constant 1 : i32
        %sub3A_301 = arith.subi %scan3A_185, %sub3A : i32
        %rem3A_302 = arith.constant 3 : i32
        %rem3A_303 = arith.remsi %sub3A_301, %rem3A_302 : i32
        %dma_wait3A_304 = arith.constant 0 : i32
        %dma_wait3A_305 = tpu.memref_slice %arg8[%rem3A_303, %dma_wait3A_304] : memref<3x48xi32, #tpu.memory_space<vmem>> -> memref<1x48xi32, #tpu.memory_space<vmem>>
        %dma_wait3A_306 = tpu.memref_squeeze %dma_wait3A_305 : memref<1x48xi32, #tpu.memory_space<vmem>> -> memref<48xi32, #tpu.memory_space<vmem>>
        %dma_wait3A_307 = arith.constant 0 : i32
        %dma_wait3A_308 = arith.constant 0 : i32
        %dma_wait3A_309 = tpu.memref_slice %arg12[%dma_wait3A_307, %dma_wait3A_308] : memref<10080x136xf32, #tpu.memory_space<vmem_shared>> -> memref<10080x136xf32, #tpu.memory_space<vmem_shared>>
        tpu.wait_indirect_dma semaphore(%arg17 : memref<!tpu.dma_semaphore, #tpu.memory_space<semaphore_mem>>) src(%arg11 : memref<48x136xf32, #tpu.memory_space<vmem>>) dst(%dma_wait3A_309 : memref<10080x136xf32, #tpu.memory_space<vmem_shared>>)
      } else {
      }
      %add3A_189 = arith.constant 2 : i32
      %add3A_190 = arith.addi %scan3A_185, %add3A_189 : i32
      %lt3A = arith.constant 210 : i32
      %lt3A_191 = arith.cmpi slt, %add3A_190, %lt3A : i32
      %convert_element_type3A_192 = arith.extui %lt3A_191 : i1 to i32
      %cond3A_193 = arith.constant 0 : i32
      %cond3A_194 = arith.cmpi ne, %convert_element_type3A_192, %cond3A_193 : i32
      scf.if %cond3A_194 {
        %add3A_301 = arith.constant 2 : i32
        %add3A_302 = arith.addi %scan3A_185, %add3A_301 : i32
        %rem3A_303 = arith.constant 3 : i32
        %rem3A_304 = arith.remsi %add3A_302, %rem3A_303 : i32
        %mul3A_305 = arith.constant 48 : i32
        %mul3A_306 = arith.muli %add3A_302, %mul3A_305 : i32
        %add3A_307 = arith.addi %mul3A_2, %mul3A_306 : i32
        %dma_start3A_308 = arith.constant 0 : i32
        %dma_start3A_309 = tpu.memref_slice %arg7[%rem3A_304, %dma_start3A_308] : memref<3x48xi32, #tpu.memory_space<vmem>> -> memref<1x48xi32, #tpu.memory_space<vmem>>
        %dma_start3A_310 = tpu.memref_squeeze %dma_start3A_309 : memref<1x48xi32, #tpu.memory_space<vmem>> -> memref<48xi32, #tpu.memory_space<vmem>>
        %dma_start3A_311 = tpu.memref_slice %arg4[%add3A_307] : memref<322560xi32, #tpu.memory_space<hbm>> -> memref<48xi32, #tpu.memory_space<hbm>>
        %dma_start3A_312 = tpu.memref_slice %arg15[%rem3A_304] : memref<3x!tpu.dma_semaphore, #tpu.memory_space<semaphore_mem>> -> memref<1x!tpu.dma_semaphore, #tpu.memory_space<semaphore_mem>>
        %dma_start3A_313 = tpu.memref_squeeze %dma_start3A_312 : memref<1x!tpu.dma_semaphore, #tpu.memory_space<semaphore_mem>> -> memref<!tpu.dma_semaphore, #tpu.memory_space<semaphore_mem>>
        %dma_start3A_314 = arith.constant 0 : i32
        %dma_start3A_315 = tpu.memref_slice %arg7[%rem3A_304, %dma_start3A_314] : memref<3x48xi32, #tpu.memory_space<vmem>> -> memref<1x48xi32, #tpu.memory_space<vmem>>
        %dma_start3A_316 = tpu.memref_squeeze %dma_start3A_315 : memref<1x48xi32, #tpu.memory_space<vmem>> -> memref<48xi32, #tpu.memory_space<vmem>>
        %dma_start3A_317 = tpu.memref_slice %arg4[%add3A_307] : memref<322560xi32, #tpu.memory_space<hbm>> -> memref<48xi32, #tpu.memory_space<hbm>>
        tpu.enqueue_dma source(%dma_start3A_317 : memref<48xi32, #tpu.memory_space<hbm>>) target(%dma_start3A_316 : memref<48xi32, #tpu.memory_space<vmem>>) target_semaphore(%dma_start3A_313 : memref<!tpu.dma_semaphore, #tpu.memory_space<semaphore_mem>>)
        %dma_start3A_318 = arith.constant 0 : i32
        %dma_start3A_319 = tpu.memref_slice %arg8[%rem3A_304, %dma_start3A_318] : memref<3x48xi32, #tpu.memory_space<vmem>> -> memref<1x48xi32, #tpu.memory_space<vmem>>
        %dma_start3A_320 = tpu.memref_squeeze %dma_start3A_319 : memref<1x48xi32, #tpu.memory_space<vmem>> -> memref<48xi32, #tpu.memory_space<vmem>>
        %dma_start3A_321 = tpu.memref_slice %arg5[%add3A_307] : memref<322560xi32, #tpu.memory_space<hbm>> -> memref<48xi32, #tpu.memory_space<hbm>>
        %dma_start3A_322 = tpu.memref_slice %arg16[%rem3A_304] : memref<3x!tpu.dma_semaphore, #tpu.memory_space<semaphore_mem>> -> memref<1x!tpu.dma_semaphore, #tpu.memory_space<semaphore_mem>>
        %dma_start3A_323 = tpu.memref_squeeze %dma_start3A_322 : memref<1x!tpu.dma_semaphore, #tpu.memory_space<semaphore_mem>> -> memref<!tpu.dma_semaphore, #tpu.memory_space<semaphore_mem>>
        %dma_start3A_324 = arith.constant 0 : i32
        %dma_start3A_325 = tpu.memref_slice %arg8[%rem3A_304, %dma_start3A_324] : memref<3x48xi32, #tpu.memory_space<vmem>> -> memref<1x48xi32, #tpu.memory_space<vmem>>
        %dma_start3A_326 = tpu.memref_squeeze %dma_start3A_325 : memref<1x48xi32, #tpu.memory_space<vmem>> -> memref<48xi32, #tpu.memory_space<vmem>>
        %dma_start3A_327 = tpu.memref_slice %arg5[%add3A_307] : memref<322560xi32, #tpu.memory_space<hbm>> -> memref<48xi32, #tpu.memory_space<hbm>>
        tpu.enqueue_dma source(%dma_start3A_327 : memref<48xi32, #tpu.memory_space<hbm>>) target(%dma_start3A_326 : memref<48xi32, #tpu.memory_space<vmem>>) target_semaphore(%dma_start3A_323 : memref<!tpu.dma_semaphore, #tpu.memory_space<semaphore_mem>>)
      } else {
      }
      %add3A_195 = arith.constant 1 : i32
      %add3A_196 = arith.addi %scan3A_185, %add3A_195 : i32
      %lt3A_197 = arith.constant 210 : i32
      %lt3A_198 = arith.cmpi slt, %add3A_196, %lt3A_197 : i32
      %convert_element_type3A_199 = arith.extui %lt3A_198 : i1 to i32
      %cond3A_200 = arith.constant 0 : i32
      %cond3A_201 = arith.cmpi ne, %convert_element_type3A_199, %cond3A_200 : i32
      scf.if %cond3A_201 {
        %add3A_301 = arith.constant 1 : i32
        %add3A_302 = arith.addi %scan3A_185, %add3A_301 : i32
        %rem3A_303 = arith.constant 2 : i32
        %rem3A_304 = arith.remsi %add3A_302, %rem3A_303 : i32
        %rem3A_305 = arith.constant 3 : i32
        %rem3A_306 = arith.remsi %add3A_302, %rem3A_305 : i32
        %mul3A_307 = arith.constant 48 : i32
        %mul3A_308 = arith.muli %add3A_302, %mul3A_307 : i32
        %add3A_309 = arith.addi %mul3A_2, %mul3A_308 : i32
        %mul3A_310 = arith.constant 48 : i32
        %mul3A_311 = arith.muli %rem3A_304, %mul3A_310 : i32
        %multiple_of3A_312 = tpu.assume_multiple %mul3A_311, 8 : i32
        %dma_wait3A_313 = arith.constant 0 : i32
        %dma_wait3A_314 = tpu.memref_slice %arg7[%rem3A_306, %dma_wait3A_313] : memref<3x48xi32, #tpu.memory_space<vmem>> -> memref<1x48xi32, #tpu.memory_space<vmem>>
        %dma_wait3A_315 = tpu.memref_squeeze %dma_wait3A_314 : memref<1x48xi32, #tpu.memory_space<vmem>> -> memref<48xi32, #tpu.memory_space<vmem>>
        %dma_wait3A_316 = tpu.memref_slice %arg4[%add3A_309] : memref<322560xi32, #tpu.memory_space<hbm>> -> memref<48xi32, #tpu.memory_space<hbm>>
        %dma_wait3A_317 = tpu.memref_slice %arg15[%rem3A_306] : memref<3x!tpu.dma_semaphore, #tpu.memory_space<semaphore_mem>> -> memref<1x!tpu.dma_semaphore, #tpu.memory_space<semaphore_mem>>
        %dma_wait3A_318 = tpu.memref_squeeze %dma_wait3A_317 : memref<1x!tpu.dma_semaphore, #tpu.memory_space<semaphore_mem>> -> memref<!tpu.dma_semaphore, #tpu.memory_space<semaphore_mem>>
        %dma_wait3A_319 = arith.constant 0 : i32
        %dma_wait3A_320 = tpu.memref_slice %arg7[%rem3A_306, %dma_wait3A_319] : memref<3x48xi32, #tpu.memory_space<vmem>> -> memref<1x48xi32, #tpu.memory_space<vmem>>
        %dma_wait3A_321 = tpu.memref_squeeze %dma_wait3A_320 : memref<1x48xi32, #tpu.memory_space<vmem>> -> memref<48xi32, #tpu.memory_space<vmem>>
        %dma_wait3A_322 = tpu.memref_slice %arg4[%add3A_309] : memref<322560xi32, #tpu.memory_space<hbm>> -> memref<48xi32, #tpu.memory_space<hbm>>
        tpu.wait_dma2 semaphore(%dma_wait3A_318 : memref<!tpu.dma_semaphore, #tpu.memory_space<semaphore_mem>>) src(%dma_wait3A_322 : memref<48xi32, #tpu.memory_space<hbm>>) dst(%dma_wait3A_321 : memref<48xi32, #tpu.memory_space<vmem>>)
        %dma_wait3A_323 = arith.constant 0 : i32
        %dma_wait3A_324 = tpu.memref_slice %arg8[%rem3A_306, %dma_wait3A_323] : memref<3x48xi32, #tpu.memory_space<vmem>> -> memref<1x48xi32, #tpu.memory_space<vmem>>
        %dma_wait3A_325 = tpu.memref_squeeze %dma_wait3A_324 : memref<1x48xi32, #tpu.memory_space<vmem>> -> memref<48xi32, #tpu.memory_space<vmem>>
        %dma_wait3A_326 = tpu.memref_slice %arg5[%add3A_309] : memref<322560xi32, #tpu.memory_space<hbm>> -> memref<48xi32, #tpu.memory_space<hbm>>
        %dma_wait3A_327 = tpu.memref_slice %arg16[%rem3A_306] : memref<3x!tpu.dma_semaphore, #tpu.memory_space<semaphore_mem>> -> memref<1x!tpu.dma_semaphore, #tpu.memory_space<semaphore_mem>>
        %dma_wait3A_328 = tpu.memref_squeeze %dma_wait3A_327 : memref<1x!tpu.dma_semaphore, #tpu.memory_space<semaphore_mem>> -> memref<!tpu.dma_semaphore, #tpu.memory_space<semaphore_mem>>
        %dma_wait3A_329 = arith.constant 0 : i32
        %dma_wait3A_330 = tpu.memref_slice %arg8[%rem3A_306, %dma_wait3A_329] : memref<3x48xi32, #tpu.memory_space<vmem>> -> memref<1x48xi32, #tpu.memory_space<vmem>>
        %dma_wait3A_331 = tpu.memref_squeeze %dma_wait3A_330 : memref<1x48xi32, #tpu.memory_space<vmem>> -> memref<48xi32, #tpu.memory_space<vmem>>
        %dma_wait3A_332 = tpu.memref_slice %arg5[%add3A_309] : memref<322560xi32, #tpu.memory_space<hbm>> -> memref<48xi32, #tpu.memory_space<hbm>>
        tpu.wait_dma2 semaphore(%dma_wait3A_328 : memref<!tpu.dma_semaphore, #tpu.memory_space<semaphore_mem>>) src(%dma_wait3A_332 : memref<48xi32, #tpu.memory_space<hbm>>) dst(%dma_wait3A_331 : memref<48xi32, #tpu.memory_space<vmem>>)
        %dma_start3A_333 = arith.constant 0 : i32
        %dma_start3A_334 = tpu.memref_slice %arg9[%multiple_of3A_312, %dma_start3A_333] : memref<96x128xf32, #tpu.memory_space<vmem>> -> memref<48x128xf32, #tpu.memory_space<vmem>>
        %dma_start3A_335 = arith.constant 0 : i32
        %dma_start3A_336 = tpu.memref_slice %arg8[%rem3A_306, %dma_start3A_335] : memref<3x48xi32, #tpu.memory_space<vmem>> -> memref<1x48xi32, #tpu.memory_space<vmem>>
        %dma_start3A_337 = tpu.memref_squeeze %dma_start3A_336 : memref<1x48xi32, #tpu.memory_space<vmem>> -> memref<48xi32, #tpu.memory_space<vmem>>
        %dma_start3A_338 = arith.constant 0 : i32
        %dma_start3A_339 = arith.constant 0 : i32
        %dma_start3A_340 = tpu.memref_slice %arg2[%dma_start3A_338, %dma_start3A_339] : memref<10080x128xf32, #tpu.memory_space<hbm>> -> memref<10080x128xf32, #tpu.memory_space<hbm>>
        %dma_start3A_341 = tpu.memref_slice %arg13[%rem3A_304] : memref<2x!tpu.dma_semaphore, #tpu.memory_space<semaphore_mem>> -> memref<1x!tpu.dma_semaphore, #tpu.memory_space<semaphore_mem>>
        %dma_start3A_342 = tpu.memref_squeeze %dma_start3A_341 : memref<1x!tpu.dma_semaphore, #tpu.memory_space<semaphore_mem>> -> memref<!tpu.dma_semaphore, #tpu.memory_space<semaphore_mem>>
        tpu.enqueue_indirect_dma source(%dma_start3A_340 : memref<10080x128xf32, #tpu.memory_space<hbm>>) target(%dma_start3A_334 : memref<48x128xf32, #tpu.memory_space<vmem>>) offsets(%dma_start3A_337 : memref<48xi32, #tpu.memory_space<vmem>>) semaphore(%dma_start3A_342 : memref<!tpu.dma_semaphore, #tpu.memory_space<semaphore_mem>>)
        %dma_start3A_343 = arith.constant 0 : i32
        %dma_start3A_344 = tpu.memref_slice %arg10[%multiple_of3A_312, %dma_start3A_343] : memref<96x256xf32, #tpu.memory_space<vmem>> -> memref<48x256xf32, #tpu.memory_space<vmem>>
        %dma_start3A_345 = arith.constant 0 : i32
        %dma_start3A_346 = tpu.memref_slice %arg7[%rem3A_306, %dma_start3A_345] : memref<3x48xi32, #tpu.memory_space<vmem>> -> memref<1x48xi32, #tpu.memory_space<vmem>>
        %dma_start3A_347 = tpu.memref_squeeze %dma_start3A_346 : memref<1x48xi32, #tpu.memory_space<vmem>> -> memref<48xi32, #tpu.memory_space<vmem>>
        %dma_start3A_348 = arith.constant 0 : i32
        %dma_start3A_349 = arith.constant 0 : i32
        %dma_start3A_350 = tpu.memref_slice %arg3[%dma_start3A_348, %dma_start3A_349] : memref<10000x256xf32, #tpu.memory_space<hbm>> -> memref<10000x256xf32, #tpu.memory_space<hbm>>
        %dma_start3A_351 = tpu.memref_slice %arg14[%rem3A_304] : memref<2x!tpu.dma_semaphore, #tpu.memory_space<semaphore_mem>> -> memref<1x!tpu.dma_semaphore, #tpu.memory_space<semaphore_mem>>
        %dma_start3A_352 = tpu.memref_squeeze %dma_start3A_351 : memref<1x!tpu.dma_semaphore, #tpu.memory_space<semaphore_mem>> -> memref<!tpu.dma_semaphore, #tpu.memory_space<semaphore_mem>>
        tpu.enqueue_indirect_dma source(%dma_start3A_350 : memref<10000x256xf32, #tpu.memory_space<hbm>>) target(%dma_start3A_344 : memref<48x256xf32, #tpu.memory_space<vmem>>) offsets(%dma_start3A_347 : memref<48xi32, #tpu.memory_space<vmem>>) semaphore(%dma_start3A_352 : memref<!tpu.dma_semaphore, #tpu.memory_space<semaphore_mem>>)
      } else {
      }
      %rem3A_202 = arith.constant 2 : i32
      %rem3A_203 = arith.remsi %scan3A_185, %rem3A_202 : i32
      %rem3A_204 = arith.constant 3 : i32
      %rem3A_205 = arith.remsi %scan3A_185, %rem3A_204 : i32
      %mul3A_206 = arith.constant 48 : i32
      %mul3A_207 = arith.muli %rem3A_203, %mul3A_206 : i32
      %multiple_of3A_208 = tpu.assume_multiple %mul3A_207, 8 : i32
      %dma_wait3A_209 = arith.constant 0 : i32
      %dma_wait3A_210 = tpu.memref_slice %arg9[%multiple_of3A_208, %dma_wait3A_209] : memref<96x128xf32, #tpu.memory_space<vmem>> -> memref<48x128xf32, #tpu.memory_space<vmem>>
      %dma_wait3A_211 = arith.constant 0 : i32
      %dma_wait3A_212 = tpu.memref_slice %arg8[%rem3A_205, %dma_wait3A_211] : memref<3x48xi32, #tpu.memory_space<vmem>> -> memref<1x48xi32, #tpu.memory_space<vmem>>
      %dma_wait3A_213 = tpu.memref_squeeze %dma_wait3A_212 : memref<1x48xi32, #tpu.memory_space<vmem>> -> memref<48xi32, #tpu.memory_space<vmem>>
      %dma_wait3A_214 = arith.constant 0 : i32
      %dma_wait3A_215 = arith.constant 0 : i32
      %dma_wait3A_216 = tpu.memref_slice %arg2[%dma_wait3A_214, %dma_wait3A_215] : memref<10080x128xf32, #tpu.memory_space<hbm>> -> memref<10080x128xf32, #tpu.memory_space<hbm>>
      %dma_wait3A_217 = tpu.memref_slice %arg13[%rem3A_203] : memref<2x!tpu.dma_semaphore, #tpu.memory_space<semaphore_mem>> -> memref<1x!tpu.dma_semaphore, #tpu.memory_space<semaphore_mem>>
      %dma_wait3A_218 = tpu.memref_squeeze %dma_wait3A_217 : memref<1x!tpu.dma_semaphore, #tpu.memory_space<semaphore_mem>> -> memref<!tpu.dma_semaphore, #tpu.memory_space<semaphore_mem>>
      tpu.wait_indirect_dma semaphore(%dma_wait3A_218 : memref<!tpu.dma_semaphore, #tpu.memory_space<semaphore_mem>>) src(%dma_wait3A_216 : memref<10080x128xf32, #tpu.memory_space<hbm>>) dst(%dma_wait3A_210 : memref<48x128xf32, #tpu.memory_space<vmem>>)
      %dma_wait3A_219 = arith.constant 0 : i32
      %dma_wait3A_220 = tpu.memref_slice %arg10[%multiple_of3A_208, %dma_wait3A_219] : memref<96x256xf32, #tpu.memory_space<vmem>> -> memref<48x256xf32, #tpu.memory_space<vmem>>
      %dma_wait3A_221 = arith.constant 0 : i32
      %dma_wait3A_222 = tpu.memref_slice %arg7[%rem3A_205, %dma_wait3A_221] : memref<3x48xi32, #tpu.memory_space<vmem>> -> memref<1x48xi32, #tpu.memory_space<vmem>>
      %dma_wait3A_223 = tpu.memref_squeeze %dma_wait3A_222 : memref<1x48xi32, #tpu.memory_space<vmem>> -> memref<48xi32, #tpu.memory_space<vmem>>
      %dma_wait3A_224 = arith.constant 0 : i32
      %dma_wait3A_225 = arith.constant 0 : i32
      %dma_wait3A_226 = tpu.memref_slice %arg3[%dma_wait3A_224, %dma_wait3A_225] : memref<10000x256xf32, #tpu.memory_space<hbm>> -> memref<10000x256xf32, #tpu.memory_space<hbm>>
      %dma_wait3A_227 = tpu.memref_slice %arg14[%rem3A_203] : memref<2x!tpu.dma_semaphore, #tpu.memory_space<semaphore_mem>> -> memref<1x!tpu.dma_semaphore, #tpu.memory_space<semaphore_mem>>
      %dma_wait3A_228 = tpu.memref_squeeze %dma_wait3A_227 : memref<1x!tpu.dma_semaphore, #tpu.memory_space<semaphore_mem>> -> memref<!tpu.dma_semaphore, #tpu.memory_space<semaphore_mem>>
      tpu.wait_indirect_dma semaphore(%dma_wait3A_228 : memref<!tpu.dma_semaphore, #tpu.memory_space<semaphore_mem>>) src(%dma_wait3A_226 : memref<10000x256xf32, #tpu.memory_space<hbm>>) dst(%dma_wait3A_220 : memref<48x256xf32, #tpu.memory_space<vmem>>)
      %rem3A_229 = arith.constant 2 : i32
      %rem3A_230 = arith.remsi %scan3A_185, %rem3A_229 : i32
      %mul3A_231 = arith.constant 48 : i32
      %mul3A_232 = arith.muli %rem3A_230, %mul3A_231 : i32
      %shift_right_logical3A = arith.constant 4 : i32
      %shift_right_logical3A_233 = arith.shrui %arg1, %shift_right_logical3A : i32
      %add3A_234 = vector.broadcast %shift_right_logical3A_233 : i32 to vector<16xi32>
      %add3A_235 = arith.addi %iota3A, %add3A_234 : vector<16xi32>
      %xor3A = arith.constant 0 : i32
      %xor3A_236 = vector.broadcast %xor3A : i32 to vector<16xi32>
      %xor3A_237 = arith.xori %add3A_235, %xor3A_236 : vector<16xi32>
      %xor3A_238 = arith.constant 1 : i32
      %xor3A_239 = vector.broadcast %xor3A_238 : i32 to vector<16xi32>
      %xor3A_240 = arith.xori %add3A_235, %xor3A_239 : vector<16xi32>
      %xor3A_241 = arith.constant 2 : i32
      %xor3A_242 = vector.broadcast %xor3A_241 : i32 to vector<16xi32>
      %xor3A_243 = arith.xori %add3A_235, %xor3A_242 : vector<16xi32>
      %xor3A_244 = arith.constant 3 : i32
      %xor3A_245 = vector.broadcast %xor3A_244 : i32 to vector<16xi32>
      %xor3A_246 = arith.xori %add3A_235, %xor3A_245 : vector<16xi32>
      %xor3A_247 = arith.constant 4 : i32
      %xor3A_248 = vector.broadcast %xor3A_247 : i32 to vector<16xi32>
      %xor3A_249 = arith.xori %add3A_235, %xor3A_248 : vector<16xi32>
      %xor3A_250 = arith.constant 5 : i32
      %xor3A_251 = vector.broadcast %xor3A_250 : i32 to vector<16xi32>
      %xor3A_252 = arith.xori %add3A_235, %xor3A_251 : vector<16xi32>
      %xor3A_253 = arith.constant 6 : i32
      %xor3A_254 = vector.broadcast %xor3A_253 : i32 to vector<16xi32>
      %xor3A_255 = arith.xori %add3A_235, %xor3A_254 : vector<16xi32>
      %xor3A_256 = arith.constant 7 : i32
      %xor3A_257 = vector.broadcast %xor3A_256 : i32 to vector<16xi32>
      %xor3A_258 = arith.xori %add3A_235, %xor3A_257 : vector<16xi32>
      %xor3A_259 = arith.constant 8 : i32
      %xor3A_260 = vector.broadcast %xor3A_259 : i32 to vector<16xi32>
      %xor3A_261 = arith.xori %add3A_235, %xor3A_260 : vector<16xi32>
      %xor3A_262 = arith.constant 9 : i32
      %xor3A_263 = vector.broadcast %xor3A_262 : i32 to vector<16xi32>
      %xor3A_264 = arith.xori %add3A_235, %xor3A_263 : vector<16xi32>
      %xor3A_265 = arith.constant 10 : i32
      %xor3A_266 = vector.broadcast %xor3A_265 : i32 to vector<16xi32>
      %xor3A_267 = arith.xori %add3A_235, %xor3A_266 : vector<16xi32>
      %xor3A_268 = arith.constant 11 : i32
      %xor3A_269 = vector.broadcast %xor3A_268 : i32 to vector<16xi32>
      %xor3A_270 = arith.xori %add3A_235, %xor3A_269 : vector<16xi32>
      %xor3A_271 = arith.constant 12 : i32
      %xor3A_272 = vector.broadcast %xor3A_271 : i32 to vector<16xi32>
      %xor3A_273 = arith.xori %add3A_235, %xor3A_272 : vector<16xi32>
      %xor3A_274 = arith.constant 13 : i32
      %xor3A_275 = vector.broadcast %xor3A_274 : i32 to vector<16xi32>
      %xor3A_276 = arith.xori %add3A_235, %xor3A_275 : vector<16xi32>
      %xor3A_277 = arith.constant 14 : i32
      %xor3A_278 = vector.broadcast %xor3A_277 : i32 to vector<16xi32>
      %xor3A_279 = arith.xori %add3A_235, %xor3A_278 : vector<16xi32>
      %xor3A_280 = arith.constant 15 : i32
      %xor3A_281 = vector.broadcast %xor3A_280 : i32 to vector<16xi32>
      %xor3A_282 = arith.xori %add3A_235, %xor3A_281 : vector<16xi32>
      %broadcast_in_dim3A_283 = arith.constant 0 : i32
      %broadcast_in_dim3A_284 = vector.broadcast %broadcast_in_dim3A_283 : i32 to vector<16xi32>
      %scan3A_285 = arith.constant 0 : i32
      %scan3A_286 = arith.constant 0 : i32
      %scan3A_287 = arith.constant 3 : i32
      %scan3A_288 = arith.addi %scan3A_286, %scan3A_287 : i32
      %scan3A_289 = arith.constant 1 : i32
      %scan3A_290 = scf.for %scan3A_301 = %scan3A_286 to %scan3A_288 step %scan3A_289 iter_args(%scan3A_302 = %scan3A_285) -> (i32)  : i32 {
        %mul3A_303 = arith.constant 16 : i32
        %mul3A_304 = arith.muli %scan3A_301, %mul3A_303 : i32
        %add3A_305 = vector.broadcast %mul3A_304 : i32 to vector<16xi32>
        %add3A_306 = arith.addi %iota3A, %add3A_305 : vector<16xi32>
        %add3A_307 = vector.broadcast %mul3A_232 : i32 to vector<16xi32>
        %add3A_308 = arith.addi %add3A_306, %add3A_307 : vector<16xi32>
        %scan3A_309 = arith.constant 0 : i32
        %scan3A_310 = arith.constant 0 : i32
        %scan3A_311 = arith.constant 8 : i32
        %scan3A_312 = arith.addi %scan3A_310, %scan3A_311 : i32
        %scan3A_313 = arith.constant 1 : i32
        %scan3A_314 = scf.for %scan3A_317 = %scan3A_310 to %scan3A_312 step %scan3A_313 iter_args(%scan3A_318 = %scan3A_309) -> (i32)  : i32 {
          %mul3A_319 = arith.constant 16 : i32
          %mul3A_320 = arith.muli %scan3A_317, %mul3A_319 : i32
          %broadcast_in_dim3A_321 = arith.constant 0.000000e+00 : f32
          %broadcast_in_dim3A_322 = vector.broadcast %broadcast_in_dim3A_321 : f32 to vector<16xf32>
          %or3A = vector.broadcast %mul3A_320 : i32 to vector<16xi32>
          %or3A_323 = arith.ori %xor3A_237, %or3A : vector<16xi32>
          %gather3A = tpu.vector_load_idx %arg9[%add3A_308, %or3A_323] : memref<96x128xf32, #tpu.memory_space<vmem>>[vector<16xi32>, vector<16xi32>], vector<16xf32>,
          %gather3A_324 = tpu.vector_load_idx %arg10[%add3A_308, %or3A_323] : memref<96x256xf32, #tpu.memory_space<vmem>>[vector<16xi32>, vector<16xi32>], vector<16xf32>,
          %mul3A_325 = arith.mulf %gather3A, %gather3A_324 : vector<16xf32>
          %add3A_326 = arith.addf %broadcast_in_dim3A_322, %mul3A_325 : vector<16xf32>
          %or3A_327 = vector.broadcast %mul3A_320 : i32 to vector<16xi32>
          %or3A_328 = arith.ori %xor3A_240, %or3A_327 : vector<16xi32>
          %gather3A_329 = tpu.vector_load_idx %arg9[%add3A_308, %or3A_328] : memref<96x128xf32, #tpu.memory_space<vmem>>[vector<16xi32>, vector<16xi32>], vector<16xf32>,
          %gather3A_330 = tpu.vector_load_idx %arg10[%add3A_308, %or3A_328] : memref<96x256xf32, #tpu.memory_space<vmem>>[vector<16xi32>, vector<16xi32>], vector<16xf32>,
          %mul3A_331 = arith.mulf %gather3A_329, %gather3A_330 : vector<16xf32>
          %add3A_332 = arith.addf %add3A_326, %mul3A_331 : vector<16xf32>
          %or3A_333 = vector.broadcast %mul3A_320 : i32 to vector<16xi32>
          %or3A_334 = arith.ori %xor3A_243, %or3A_333 : vector<16xi32>
          %gather3A_335 = tpu.vector_load_idx %arg9[%add3A_308, %or3A_334] : memref<96x128xf32, #tpu.memory_space<vmem>>[vector<16xi32>, vector<16xi32>], vector<16xf32>,
          %gather3A_336 = tpu.vector_load_idx %arg10[%add3A_308, %or3A_334] : memref<96x256xf32, #tpu.memory_space<vmem>>[vector<16xi32>, vector<16xi32>], vector<16xf32>,
          %mul3A_337 = arith.mulf %gather3A_335, %gather3A_336 : vector<16xf32>
          %add3A_338 = arith.addf %add3A_332, %mul3A_337 : vector<16xf32>
          %or3A_339 = vector.broadcast %mul3A_320 : i32 to vector<16xi32>
          %or3A_340 = arith.ori %xor3A_246, %or3A_339 : vector<16xi32>
          %gather3A_341 = tpu.vector_load_idx %arg9[%add3A_308, %or3A_340] : memref<96x128xf32, #tpu.memory_space<vmem>>[vector<16xi32>, vector<16xi32>], vector<16xf32>,
          %gather3A_342 = tpu.vector_load_idx %arg10[%add3A_308, %or3A_340] : memref<96x256xf32, #tpu.memory_space<vmem>>[vector<16xi32>, vector<16xi32>], vector<16xf32>,
          %mul3A_343 = arith.mulf %gather3A_341, %gather3A_342 : vector<16xf32>
          %add3A_344 = arith.addf %add3A_338, %mul3A_343 : vector<16xf32>
          %or3A_345 = vector.broadcast %mul3A_320 : i32 to vector<16xi32>
          %or3A_346 = arith.ori %xor3A_249, %or3A_345 : vector<16xi32>
          %gather3A_347 = tpu.vector_load_idx %arg9[%add3A_308, %or3A_346] : memref<96x128xf32, #tpu.memory_space<vmem>>[vector<16xi32>, vector<16xi32>], vector<16xf32>,
          %gather3A_348 = tpu.vector_load_idx %arg10[%add3A_308, %or3A_346] : memref<96x256xf32, #tpu.memory_space<vmem>>[vector<16xi32>, vector<16xi32>], vector<16xf32>,
          %mul3A_349 = arith.mulf %gather3A_347, %gather3A_348 : vector<16xf32>
          %add3A_350 = arith.addf %add3A_344, %mul3A_349 : vector<16xf32>
          %or3A_351 = vector.broadcast %mul3A_320 : i32 to vector<16xi32>
          %or3A_352 = arith.ori %xor3A_252, %or3A_351 : vector<16xi32>
          %gather3A_353 = tpu.vector_load_idx %arg9[%add3A_308, %or3A_352] : memref<96x128xf32, #tpu.memory_space<vmem>>[vector<16xi32>, vector<16xi32>], vector<16xf32>,
          %gather3A_354 = tpu.vector_load_idx %arg10[%add3A_308, %or3A_352] : memref<96x256xf32, #tpu.memory_space<vmem>>[vector<16xi32>, vector<16xi32>], vector<16xf32>,
          %mul3A_355 = arith.mulf %gather3A_353, %gather3A_354 : vector<16xf32>
          %add3A_356 = arith.addf %add3A_350, %mul3A_355 : vector<16xf32>
          %or3A_357 = vector.broadcast %mul3A_320 : i32 to vector<16xi32>
          %or3A_358 = arith.ori %xor3A_255, %or3A_357 : vector<16xi32>
          %gather3A_359 = tpu.vector_load_idx %arg9[%add3A_308, %or3A_358] : memref<96x128xf32, #tpu.memory_space<vmem>>[vector<16xi32>, vector<16xi32>], vector<16xf32>,
          %gather3A_360 = tpu.vector_load_idx %arg10[%add3A_308, %or3A_358] : memref<96x256xf32, #tpu.memory_space<vmem>>[vector<16xi32>, vector<16xi32>], vector<16xf32>,
          %mul3A_361 = arith.mulf %gather3A_359, %gather3A_360 : vector<16xf32>
          %add3A_362 = arith.addf %add3A_356, %mul3A_361 : vector<16xf32>
          %or3A_363 = vector.broadcast %mul3A_320 : i32 to vector<16xi32>
          %or3A_364 = arith.ori %xor3A_258, %or3A_363 : vector<16xi32>
          %gather3A_365 = tpu.vector_load_idx %arg9[%add3A_308, %or3A_364] : memref<96x128xf32, #tpu.memory_space<vmem>>[vector<16xi32>, vector<16xi32>], vector<16xf32>,
          %gather3A_366 = tpu.vector_load_idx %arg10[%add3A_308, %or3A_364] : memref<96x256xf32, #tpu.memory_space<vmem>>[vector<16xi32>, vector<16xi32>], vector<16xf32>,
          %mul3A_367 = arith.mulf %gather3A_365, %gather3A_366 : vector<16xf32>
          %add3A_368 = arith.addf %add3A_362, %mul3A_367 : vector<16xf32>
          %or3A_369 = vector.broadcast %mul3A_320 : i32 to vector<16xi32>
          %or3A_370 = arith.ori %xor3A_261, %or3A_369 : vector<16xi32>
          %gather3A_371 = tpu.vector_load_idx %arg9[%add3A_308, %or3A_370] : memref<96x128xf32, #tpu.memory_space<vmem>>[vector<16xi32>, vector<16xi32>], vector<16xf32>,
          %gather3A_372 = tpu.vector_load_idx %arg10[%add3A_308, %or3A_370] : memref<96x256xf32, #tpu.memory_space<vmem>>[vector<16xi32>, vector<16xi32>], vector<16xf32>,
          %mul3A_373 = arith.mulf %gather3A_371, %gather3A_372 : vector<16xf32>
          %add3A_374 = arith.addf %add3A_368, %mul3A_373 : vector<16xf32>
          %or3A_375 = vector.broadcast %mul3A_320 : i32 to vector<16xi32>
          %or3A_376 = arith.ori %xor3A_264, %or3A_375 : vector<16xi32>
          %gather3A_377 = tpu.vector_load_idx %arg9[%add3A_308, %or3A_376] : memref<96x128xf32, #tpu.memory_space<vmem>>[vector<16xi32>, vector<16xi32>], vector<16xf32>,
          %gather3A_378 = tpu.vector_load_idx %arg10[%add3A_308, %or3A_376] : memref<96x256xf32, #tpu.memory_space<vmem>>[vector<16xi32>, vector<16xi32>], vector<16xf32>,
          %mul3A_379 = arith.mulf %gather3A_377, %gather3A_378 : vector<16xf32>
          %add3A_380 = arith.addf %add3A_374, %mul3A_379 : vector<16xf32>
          %or3A_381 = vector.broadcast %mul3A_320 : i32 to vector<16xi32>
          %or3A_382 = arith.ori %xor3A_267, %or3A_381 : vector<16xi32>
          %gather3A_383 = tpu.vector_load_idx %arg9[%add3A_308, %or3A_382] : memref<96x128xf32, #tpu.memory_space<vmem>>[vector<16xi32>, vector<16xi32>], vector<16xf32>,
          %gather3A_384 = tpu.vector_load_idx %arg10[%add3A_308, %or3A_382] : memref<96x256xf32, #tpu.memory_space<vmem>>[vector<16xi32>, vector<16xi32>], vector<16xf32>,
          %mul3A_385 = arith.mulf %gather3A_383, %gather3A_384 : vector<16xf32>
          %add3A_386 = arith.addf %add3A_380, %mul3A_385 : vector<16xf32>
          %or3A_387 = vector.broadcast %mul3A_320 : i32 to vector<16xi32>
          %or3A_388 = arith.ori %xor3A_270, %or3A_387 : vector<16xi32>
          %gather3A_389 = tpu.vector_load_idx %arg9[%add3A_308, %or3A_388] : memref<96x128xf32, #tpu.memory_space<vmem>>[vector<16xi32>, vector<16xi32>], vector<16xf32>,
          %gather3A_390 = tpu.vector_load_idx %arg10[%add3A_308, %or3A_388] : memref<96x256xf32, #tpu.memory_space<vmem>>[vector<16xi32>, vector<16xi32>], vector<16xf32>,
          %mul3A_391 = arith.mulf %gather3A_389, %gather3A_390 : vector<16xf32>
          %add3A_392 = arith.addf %add3A_386, %mul3A_391 : vector<16xf32>
          %or3A_393 = vector.broadcast %mul3A_320 : i32 to vector<16xi32>
          %or3A_394 = arith.ori %xor3A_273, %or3A_393 : vector<16xi32>
          %gather3A_395 = tpu.vector_load_idx %arg9[%add3A_308, %or3A_394] : memref<96x128xf32, #tpu.memory_space<vmem>>[vector<16xi32>, vector<16xi32>], vector<16xf32>,
          %gather3A_396 = tpu.vector_load_idx %arg10[%add3A_308, %or3A_394] : memref<96x256xf32, #tpu.memory_space<vmem>>[vector<16xi32>, vector<16xi32>], vector<16xf32>,
          %mul3A_397 = arith.mulf %gather3A_395, %gather3A_396 : vector<16xf32>
          %add3A_398 = arith.addf %add3A_392, %mul3A_397 : vector<16xf32>
          %or3A_399 = vector.broadcast %mul3A_320 : i32 to vector<16xi32>
          %or3A_400 = arith.ori %xor3A_276, %or3A_399 : vector<16xi32>
          %gather3A_401 = tpu.vector_load_idx %arg9[%add3A_308, %or3A_400] : memref<96x128xf32, #tpu.memory_space<vmem>>[vector<16xi32>, vector<16xi32>], vector<16xf32>,
          %gather3A_402 = tpu.vector_load_idx %arg10[%add3A_308, %or3A_400] : memref<96x256xf32, #tpu.memory_space<vmem>>[vector<16xi32>, vector<16xi32>], vector<16xf32>,
          %mul3A_403 = arith.mulf %gather3A_401, %gather3A_402 : vector<16xf32>
          %add3A_404 = arith.addf %add3A_398, %mul3A_403 : vector<16xf32>
          %or3A_405 = vector.broadcast %mul3A_320 : i32 to vector<16xi32>
          %or3A_406 = arith.ori %xor3A_279, %or3A_405 : vector<16xi32>
          %gather3A_407 = tpu.vector_load_idx %arg9[%add3A_308, %or3A_406] : memref<96x128xf32, #tpu.memory_space<vmem>>[vector<16xi32>, vector<16xi32>], vector<16xf32>,
          %gather3A_408 = tpu.vector_load_idx %arg10[%add3A_308, %or3A_406] : memref<96x256xf32, #tpu.memory_space<vmem>>[vector<16xi32>, vector<16xi32>], vector<16xf32>,
          %mul3A_409 = arith.mulf %gather3A_407, %gather3A_408 : vector<16xf32>
          %add3A_410 = arith.addf %add3A_404, %mul3A_409 : vector<16xf32>
          %or3A_411 = vector.broadcast %mul3A_320 : i32 to vector<16xi32>
          %or3A_412 = arith.ori %xor3A_282, %or3A_411 : vector<16xi32>
          %gather3A_413 = tpu.vector_load_idx %arg9[%add3A_308, %or3A_412] : memref<96x128xf32, #tpu.memory_space<vmem>>[vector<16xi32>, vector<16xi32>], vector<16xf32>,
          %gather3A_414 = tpu.vector_load_idx %arg10[%add3A_308, %or3A_412] : memref<96x256xf32, #tpu.memory_space<vmem>>[vector<16xi32>, vector<16xi32>], vector<16xf32>,
          %mul3A_415 = arith.mulf %gather3A_413, %gather3A_414 : vector<16xf32>
          %add3A_416 = arith.addf %add3A_410, %mul3A_415 : vector<16xf32>
          %exp3A = math.exp %add3A_416 : vector<16xf32>
          %add3A_417 = arith.constant 128 : i32
          %add3A_418 = arith.addi %add3A_417, %scan3A_317 : i32
          %add3A_419 = vector.broadcast %add3A_418 : i32 to vector<16xi32>
          %add3A_420 = arith.addi %broadcast_in_dim3A_284, %add3A_419 : vector<16xi32>
          tpu.vector_store_idx %arg11[%add3A_306, %add3A_420], %exp3A : memref<48x136xf32, #tpu.memory_space<vmem>>[vector<16xi32>, vector<16xi32>], vector<16xf32>,
          %add3A_421 = arith.constant 128 : i32
          %add3A_422 = arith.addi %add3A_421, %mul3A_320 : i32
          %or3A_423 = vector.broadcast %add3A_422 : i32 to vector<16xi32>
          %or3A_424 = arith.ori %xor3A_237, %or3A_423 : vector<16xi32>
          %gather3A_425 = tpu.vector_load_idx %arg10[%add3A_308, %or3A_424] : memref<96x256xf32, #tpu.memory_space<vmem>>[vector<16xi32>, vector<16xi32>], vector<16xf32>,
          %mul3A_426 = arith.mulf %gather3A_425, %exp3A : vector<16xf32>
          %add3A_427 = arith.constant 128 : i32
          %add3A_428 = arith.addi %add3A_427, %mul3A_320 : i32
          %or3A_429 = vector.broadcast %add3A_428 : i32 to vector<16xi32>
          %or3A_430 = arith.ori %xor3A_240, %or3A_429 : vector<16xi32>
          %gather3A_431 = tpu.vector_load_idx %arg10[%add3A_308, %or3A_430] : memref<96x256xf32, #tpu.memory_space<vmem>>[vector<16xi32>, vector<16xi32>], vector<16xf32>,
          %mul3A_432 = arith.mulf %gather3A_431, %exp3A : vector<16xf32>
          %add3A_433 = arith.constant 128 : i32
          %add3A_434 = arith.addi %add3A_433, %mul3A_320 : i32
          %or3A_435 = vector.broadcast %add3A_434 : i32 to vector<16xi32>
          %or3A_436 = arith.ori %xor3A_243, %or3A_435 : vector<16xi32>
          %gather3A_437 = tpu.vector_load_idx %arg10[%add3A_308, %or3A_436] : memref<96x256xf32, #tpu.memory_space<vmem>>[vector<16xi32>, vector<16xi32>], vector<16xf32>,
          %mul3A_438 = arith.mulf %gather3A_437, %exp3A : vector<16xf32>
          %add3A_439 = arith.constant 128 : i32
          %add3A_440 = arith.addi %add3A_439, %mul3A_320 : i32
          %or3A_441 = vector.broadcast %add3A_440 : i32 to vector<16xi32>
          %or3A_442 = arith.ori %xor3A_246, %or3A_441 : vector<16xi32>
          %gather3A_443 = tpu.vector_load_idx %arg10[%add3A_308, %or3A_442] : memref<96x256xf32, #tpu.memory_space<vmem>>[vector<16xi32>, vector<16xi32>], vector<16xf32>,
          %mul3A_444 = arith.mulf %gather3A_443, %exp3A : vector<16xf32>
          %add3A_445 = arith.constant 128 : i32
          %add3A_446 = arith.addi %add3A_445, %mul3A_320 : i32
          %or3A_447 = vector.broadcast %add3A_446 : i32 to vector<16xi32>
          %or3A_448 = arith.ori %xor3A_249, %or3A_447 : vector<16xi32>
          %gather3A_449 = tpu.vector_load_idx %arg10[%add3A_308, %or3A_448] : memref<96x256xf32, #tpu.memory_space<vmem>>[vector<16xi32>, vector<16xi32>], vector<16xf32>,
          %mul3A_450 = arith.mulf %gather3A_449, %exp3A : vector<16xf32>
          %add3A_451 = arith.constant 128 : i32
          %add3A_452 = arith.addi %add3A_451, %mul3A_320 : i32
          %or3A_453 = vector.broadcast %add3A_452 : i32 to vector<16xi32>
          %or3A_454 = arith.ori %xor3A_252, %or3A_453 : vector<16xi32>
          %gather3A_455 = tpu.vector_load_idx %arg10[%add3A_308, %or3A_454] : memref<96x256xf32, #tpu.memory_space<vmem>>[vector<16xi32>, vector<16xi32>], vector<16xf32>,
          %mul3A_456 = arith.mulf %gather3A_455, %exp3A : vector<16xf32>
          %add3A_457 = arith.constant 128 : i32
          %add3A_458 = arith.addi %add3A_457, %mul3A_320 : i32
          %or3A_459 = vector.broadcast %add3A_458 : i32 to vector<16xi32>
          %or3A_460 = arith.ori %xor3A_255, %or3A_459 : vector<16xi32>
          %gather3A_461 = tpu.vector_load_idx %arg10[%add3A_308, %or3A_460] : memref<96x256xf32, #tpu.memory_space<vmem>>[vector<16xi32>, vector<16xi32>], vector<16xf32>,
          %mul3A_462 = arith.mulf %gather3A_461, %exp3A : vector<16xf32>
          %add3A_463 = arith.constant 128 : i32
          %add3A_464 = arith.addi %add3A_463, %mul3A_320 : i32
          %or3A_465 = vector.broadcast %add3A_464 : i32 to vector<16xi32>
          %or3A_466 = arith.ori %xor3A_258, %or3A_465 : vector<16xi32>
          %gather3A_467 = tpu.vector_load_idx %arg10[%add3A_308, %or3A_466] : memref<96x256xf32, #tpu.memory_space<vmem>>[vector<16xi32>, vector<16xi32>], vector<16xf32>,
          %mul3A_468 = arith.mulf %gather3A_467, %exp3A : vector<16xf32>
          %or3A_469 = vector.broadcast %mul3A_320 : i32 to vector<16xi32>
          %or3A_470 = arith.ori %xor3A_237, %or3A_469 : vector<16xi32>
          tpu.vector_store_idx %arg11[%add3A_306, %or3A_470], %mul3A_426 : memref<48x136xf32, #tpu.memory_space<vmem>>[vector<16xi32>, vector<16xi32>], vector<16xf32>,
          %or3A_471 = vector.broadcast %mul3A_320 : i32 to vector<16xi32>
          %or3A_472 = arith.ori %xor3A_240, %or3A_471 : vector<16xi32>
          tpu.vector_store_idx %arg11[%add3A_306, %or3A_472], %mul3A_432 : memref<48x136xf32, #tpu.memory_space<vmem>>[vector<16xi32>, vector<16xi32>], vector<16xf32>,
          %or3A_473 = vector.broadcast %mul3A_320 : i32 to vector<16xi32>
          %or3A_474 = arith.ori %xor3A_243, %or3A_473 : vector<16xi32>
          tpu.vector_store_idx %arg11[%add3A_306, %or3A_474], %mul3A_438 : memref<48x136xf32, #tpu.memory_space<vmem>>[vector<16xi32>, vector<16xi32>], vector<16xf32>,
          %or3A_475 = vector.broadcast %mul3A_320 : i32 to vector<16xi32>
          %or3A_476 = arith.ori %xor3A_246, %or3A_475 : vector<16xi32>
          tpu.vector_store_idx %arg11[%add3A_306, %or3A_476], %mul3A_444 : memref<48x136xf32, #tpu.memory_space<vmem>>[vector<16xi32>, vector<16xi32>], vector<16xf32>,
          %or3A_477 = vector.broadcast %mul3A_320 : i32 to vector<16xi32>
          %or3A_478 = arith.ori %xor3A_249, %or3A_477 : vector<16xi32>
          tpu.vector_store_idx %arg11[%add3A_306, %or3A_478], %mul3A_450 : memref<48x136xf32, #tpu.memory_space<vmem>>[vector<16xi32>, vector<16xi32>], vector<16xf32>,
          %or3A_479 = vector.broadcast %mul3A_320 : i32 to vector<16xi32>
          %or3A_480 = arith.ori %xor3A_252, %or3A_479 : vector<16xi32>
          tpu.vector_store_idx %arg11[%add3A_306, %or3A_480], %mul3A_456 : memref<48x136xf32, #tpu.memory_space<vmem>>[vector<16xi32>, vector<16xi32>], vector<16xf32>,
          %or3A_481 = vector.broadcast %mul3A_320 : i32 to vector<16xi32>
          %or3A_482 = arith.ori %xor3A_255, %or3A_481 : vector<16xi32>
          tpu.vector_store_idx %arg11[%add3A_306, %or3A_482], %mul3A_462 : memref<48x136xf32, #tpu.memory_space<vmem>>[vector<16xi32>, vector<16xi32>], vector<16xf32>,
          %or3A_483 = vector.broadcast %mul3A_320 : i32 to vector<16xi32>
          %or3A_484 = arith.ori %xor3A_258, %or3A_483 : vector<16xi32>
          tpu.vector_store_idx %arg11[%add3A_306, %or3A_484], %mul3A_468 : memref<48x136xf32, #tpu.memory_space<vmem>>[vector<16xi32>, vector<16xi32>], vector<16xf32>,
          %add3A_485 = arith.constant 128 : i32
          %add3A_486 = arith.addi %add3A_485, %mul3A_320 : i32
          %or3A_487 = vector.broadcast %add3A_486 : i32 to vector<16xi32>
          %or3A_488 = arith.ori %xor3A_261, %or3A_487 : vector<16xi32>
          %gather3A_489 = tpu.vector_load_idx %arg10[%add3A_308, %or3A_488] : memref<96x256xf32, #tpu.memory_space<vmem>>[vector<16xi32>, vector<16xi32>], vector<16xf32>,
          %mul3A_490 = arith.mulf %gather3A_489, %exp3A : vector<16xf32>
          %add3A_491 = arith.constant 128 : i32
          %add3A_492 = arith.addi %add3A_491, %mul3A_320 : i32
          %or3A_493 = vector.broadcast %add3A_492 : i32 to vector<16xi32>
          %or3A_494 = arith.ori %xor3A_264, %or3A_493 : vector<16xi32>
          %gather3A_495 = tpu.vector_load_idx %arg10[%add3A_308, %or3A_494] : memref<96x256xf32, #tpu.memory_space<vmem>>[vector<16xi32>, vector<16xi32>], vector<16xf32>,
          %mul3A_496 = arith.mulf %gather3A_495, %exp3A : vector<16xf32>
          %add3A_497 = arith.constant 128 : i32
          %add3A_498 = arith.addi %add3A_497, %mul3A_320 : i32
          %or3A_499 = vector.broadcast %add3A_498 : i32 to vector<16xi32>
          %or3A_500 = arith.ori %xor3A_267, %or3A_499 : vector<16xi32>
          %gather3A_501 = tpu.vector_load_idx %arg10[%add3A_308, %or3A_500] : memref<96x256xf32, #tpu.memory_space<vmem>>[vector<16xi32>, vector<16xi32>], vector<16xf32>,
          %mul3A_502 = arith.mulf %gather3A_501, %exp3A : vector<16xf32>
          %add3A_503 = arith.constant 128 : i32
          %add3A_504 = arith.addi %add3A_503, %mul3A_320 : i32
          %or3A_505 = vector.broadcast %add3A_504 : i32 to vector<16xi32>
          %or3A_506 = arith.ori %xor3A_270, %or3A_505 : vector<16xi32>
          %gather3A_507 = tpu.vector_load_idx %arg10[%add3A_308, %or3A_506] : memref<96x256xf32, #tpu.memory_space<vmem>>[vector<16xi32>, vector<16xi32>], vector<16xf32>,
          %mul3A_508 = arith.mulf %gather3A_507, %exp3A : vector<16xf32>
          %add3A_509 = arith.constant 128 : i32
          %add3A_510 = arith.addi %add3A_509, %mul3A_320 : i32
          %or3A_511 = vector.broadcast %add3A_510 : i32 to vector<16xi32>
          %or3A_512 = arith.ori %xor3A_273, %or3A_511 : vector<16xi32>
          %gather3A_513 = tpu.vector_load_idx %arg10[%add3A_308, %or3A_512] : memref<96x256xf32, #tpu.memory_space<vmem>>[vector<16xi32>, vector<16xi32>], vector<16xf32>,
          %mul3A_514 = arith.mulf %gather3A_513, %exp3A : vector<16xf32>
          %add3A_515 = arith.constant 128 : i32
          %add3A_516 = arith.addi %add3A_515, %mul3A_320 : i32
          %or3A_517 = vector.broadcast %add3A_516 : i32 to vector<16xi32>
          %or3A_518 = arith.ori %xor3A_276, %or3A_517 : vector<16xi32>
          %gather3A_519 = tpu.vector_load_idx %arg10[%add3A_308, %or3A_518] : memref<96x256xf32, #tpu.memory_space<vmem>>[vector<16xi32>, vector<16xi32>], vector<16xf32>,
          %mul3A_520 = arith.mulf %gather3A_519, %exp3A : vector<16xf32>
          %add3A_521 = arith.constant 128 : i32
          %add3A_522 = arith.addi %add3A_521, %mul3A_320 : i32
          %or3A_523 = vector.broadcast %add3A_522 : i32 to vector<16xi32>
          %or3A_524 = arith.ori %xor3A_279, %or3A_523 : vector<16xi32>
          %gather3A_525 = tpu.vector_load_idx %arg10[%add3A_308, %or3A_524] : memref<96x256xf32, #tpu.memory_space<vmem>>[vector<16xi32>, vector<16xi32>], vector<16xf32>,
          %mul3A_526 = arith.mulf %gather3A_525, %exp3A : vector<16xf32>
          %add3A_527 = arith.constant 128 : i32
          %add3A_528 = arith.addi %add3A_527, %mul3A_320 : i32
          %or3A_529 = vector.broadcast %add3A_528 : i32 to vector<16xi32>
          %or3A_530 = arith.ori %xor3A_282, %or3A_529 : vector<16xi32>
          %gather3A_531 = tpu.vector_load_idx %arg10[%add3A_308, %or3A_530] : memref<96x256xf32, #tpu.memory_space<vmem>>[vector<16xi32>, vector<16xi32>], vector<16xf32>,
          %mul3A_532 = arith.mulf %gather3A_531, %exp3A : vector<16xf32>
          %or3A_533 = vector.broadcast %mul3A_320 : i32 to vector<16xi32>
          %or3A_534 = arith.ori %xor3A_261, %or3A_533 : vector<16xi32>
          tpu.vector_store_idx %arg11[%add3A_306, %or3A_534], %mul3A_490 : memref<48x136xf32, #tpu.memory_space<vmem>>[vector<16xi32>, vector<16xi32>], vector<16xf32>,
          %or3A_535 = vector.broadcast %mul3A_320 : i32 to vector<16xi32>
          %or3A_536 = arith.ori %xor3A_264, %or3A_535 : vector<16xi32>
          tpu.vector_store_idx %arg11[%add3A_306, %or3A_536], %mul3A_496 : memref<48x136xf32, #tpu.memory_space<vmem>>[vector<16xi32>, vector<16xi32>], vector<16xf32>,
          %or3A_537 = vector.broadcast %mul3A_320 : i32 to vector<16xi32>
          %or3A_538 = arith.ori %xor3A_267, %or3A_537 : vector<16xi32>
          tpu.vector_store_idx %arg11[%add3A_306, %or3A_538], %mul3A_502 : memref<48x136xf32, #tpu.memory_space<vmem>>[vector<16xi32>, vector<16xi32>], vector<16xf32>,
          %or3A_539 = vector.broadcast %mul3A_320 : i32 to vector<16xi32>
          %or3A_540 = arith.ori %xor3A_270, %or3A_539 : vector<16xi32>
          tpu.vector_store_idx %arg11[%add3A_306, %or3A_540], %mul3A_508 : memref<48x136xf32, #tpu.memory_space<vmem>>[vector<16xi32>, vector<16xi32>], vector<16xf32>,
          %or3A_541 = vector.broadcast %mul3A_320 : i32 to vector<16xi32>
          %or3A_542 = arith.ori %xor3A_273, %or3A_541 : vector<16xi32>
          tpu.vector_store_idx %arg11[%add3A_306, %or3A_542], %mul3A_514 : memref<48x136xf32, #tpu.memory_space<vmem>>[vector<16xi32>, vector<16xi32>], vector<16xf32>,
          %or3A_543 = vector.broadcast %mul3A_320 : i32 to vector<16xi32>
          %or3A_544 = arith.ori %xor3A_276, %or3A_543 : vector<16xi32>
          tpu.vector_store_idx %arg11[%add3A_306, %or3A_544], %mul3A_520 : memref<48x136xf32, #tpu.memory_space<vmem>>[vector<16xi32>, vector<16xi32>], vector<16xf32>,
          %or3A_545 = vector.broadcast %mul3A_320 : i32 to vector<16xi32>
          %or3A_546 = arith.ori %xor3A_279, %or3A_545 : vector<16xi32>
          tpu.vector_store_idx %arg11[%add3A_306, %or3A_546], %mul3A_526 : memref<48x136xf32, #tpu.memory_space<vmem>>[vector<16xi32>, vector<16xi32>], vector<16xf32>,
          %or3A_547 = vector.broadcast %mul3A_320 : i32 to vector<16xi32>
          %or3A_548 = arith.ori %xor3A_282, %or3A_547 : vector<16xi32>
          tpu.vector_store_idx %arg11[%add3A_306, %or3A_548], %mul3A_532 : memref<48x136xf32, #tpu.memory_space<vmem>>[vector<16xi32>, vector<16xi32>], vector<16xf32>,
          %scan3A_549 = arith.constant 0 : i32
          scf.yield %scan3A_549 : i32
        }
        %scan3A_315 = arith.constant 8 : i32
        %scan3A_316 = arith.constant 0 : i32
        scf.yield %scan3A_316 : i32
      }
      %scan3A_291 = arith.constant 3 : i32
      %rem3A_292 = arith.constant 3 : i32
      %rem3A_293 = arith.remsi %scan3A_185, %rem3A_292 : i32
      %dma_start3A_294 = arith.constant 0 : i32
      %dma_start3A_295 = tpu.memref_slice %arg8[%rem3A_293, %dma_start3A_294] : memref<3x48xi32, #tpu.memory_space<vmem>> -> memref<1x48xi32, #tpu.memory_space<vmem>>
      %dma_start3A_296 = tpu.memref_squeeze %dma_start3A_295 : memref<1x48xi32, #tpu.memory_space<vmem>> -> memref<48xi32, #tpu.memory_space<vmem>>
      %dma_start3A_297 = arith.constant 0 : i32
      %dma_start3A_298 = arith.constant 0 : i32
      %dma_start3A_299 = tpu.memref_slice %arg12[%dma_start3A_297, %dma_start3A_298] : memref<10080x136xf32, #tpu.memory_space<vmem_shared>> -> memref<10080x136xf32, #tpu.memory_space<vmem_shared>>
      tpu.enqueue_indirect_dma source(%arg11 : memref<48x136xf32, #tpu.memory_space<vmem>>) target(%dma_start3A_299 : memref<10080x136xf32, #tpu.memory_space<vmem_shared>>) offsets(%dma_start3A_296 : memref<48xi32, #tpu.memory_space<vmem>>) semaphore(%arg17 : memref<!tpu.dma_semaphore, #tpu.memory_space<semaphore_mem>>) {add = true}
      %scan3A_300 = arith.constant 0 : i32
      scf.yield %scan3A_300 : i32
    }
    %scan3A_149 = arith.constant 210 : i32
    %rem3A_150 = arith.constant 209 : i32
    %rem3A_151 = arith.constant 3 : i32
    %rem3A_152 = arith.remsi %rem3A_150, %rem3A_151 : i32
    %dma_wait3A_153 = arith.constant 0 : i32
    %dma_wait3A_154 = tpu.memref_slice %arg8[%rem3A_152, %dma_wait3A_153] : memref<3x48xi32, #tpu.memory_space<vmem>> -> memref<1x48xi32, #tpu.memory_space<vmem>>
    %dma_wait3A_155 = tpu.memref_squeeze %dma_wait3A_154 : memref<1x48xi32, #tpu.memory_space<vmem>> -> memref<48xi32, #tpu.memory_space<vmem>>
    %dma_wait3A_156 = arith.constant 0 : i32
    %dma_wait3A_157 = arith.constant 0 : i32
    %dma_wait3A_158 = tpu.memref_slice %arg12[%dma_wait3A_156, %dma_wait3A_157] : memref<10080x136xf32, #tpu.memory_space<vmem_shared>> -> memref<10080x136xf32, #tpu.memory_space<vmem_shared>>
    tpu.wait_indirect_dma semaphore(%arg17 : memref<!tpu.dma_semaphore, #tpu.memory_space<semaphore_mem>>) src(%arg11 : memref<48x136xf32, #tpu.memory_space<vmem>>) dst(%dma_wait3A_158 : memref<10080x136xf32, #tpu.memory_space<vmem_shared>>)
    %barrier3A_159 = arith.constant 0 : index
    tpu.barrier barrier_id(%barrier3A_159)
    %add3A_160 = arith.constant 0 : i32
    %add3A_161 = arith.addi %mul3A_4, %add3A_160 : i32
    %mul3A_162 = arith.constant 10000 : i32
    %mul3A_163 = arith.muli %arg0, %mul3A_162 : i32
    %add3A_164 = arith.addi %mul3A_163, %add3A_161 : i32
    "tpu.region"() ({
      %run_scoped3A = tpu.sem_alloc : memref<!tpu.dma_semaphore, #tpu.memory_space<semaphore_mem>>
      %dma_start3A_185 = arith.constant 0 : i32
      %dma_start3A_186 = tpu.memref_slice %arg6[%add3A_164, %dma_start3A_185] : memref<20000x136xf32, #tpu.memory_space<hbm>> -> memref<125x136xf32, #tpu.memory_space<hbm>>
      %dma_start3A_187 = arith.constant 0 : i32
      %dma_start3A_188 = tpu.memref_slice %arg12[%add3A_161, %dma_start3A_187] : memref<10080x136xf32, #tpu.memory_space<vmem_shared>> -> memref<125x136xf32, #tpu.memory_space<vmem_shared>>
      tpu.enqueue_dma source(%dma_start3A_188 : memref<125x136xf32, #tpu.memory_space<vmem_shared>>) target(%dma_start3A_186 : memref<125x136xf32, #tpu.memory_space<hbm>>) target_semaphore(%run_scoped3A : memref<!tpu.dma_semaphore, #tpu.memory_space<semaphore_mem>>)
      %dma_wait3A_189 = arith.constant 0 : i32
      %dma_wait3A_190 = tpu.memref_slice %arg6[%add3A_164, %dma_wait3A_189] : memref<20000x136xf32, #tpu.memory_space<hbm>> -> memref<125x136xf32, #tpu.memory_space<hbm>>
      %dma_wait3A_191 = arith.constant 0 : i32
      %dma_wait3A_192 = tpu.memref_slice %arg12[%add3A_161, %dma_wait3A_191] : memref<10080x136xf32, #tpu.memory_space<vmem_shared>> -> memref<125x136xf32, #tpu.memory_space<vmem_shared>>
      tpu.wait_dma2 semaphore(%run_scoped3A : memref<!tpu.dma_semaphore, #tpu.memory_space<semaphore_mem>>) src(%dma_wait3A_192 : memref<125x136xf32, #tpu.memory_space<vmem_shared>>) dst(%dma_wait3A_190 : memref<125x136xf32, #tpu.memory_space<hbm>>)
      tpu.yield
    }) : () -> ()
    %add3A_165 = arith.constant 125 : i32
    %add3A_166 = arith.addi %mul3A_4, %add3A_165 : i32
    %mul3A_167 = arith.constant 10000 : i32
    %mul3A_168 = arith.muli %arg0, %mul3A_167 : i32
    %add3A_169 = arith.addi %mul3A_168, %add3A_166 : i32
    "tpu.region"() ({
      %run_scoped3A = tpu.sem_alloc : memref<!tpu.dma_semaphore, #tpu.memory_space<semaphore_mem>>
      %dma_start3A_185 = arith.constant 0 : i32
      %dma_start3A_186 = tpu.memref_slice %arg6[%add3A_169, %dma_start3A_185] : memref<20000x136xf32, #tpu.memory_space<hbm>> -> memref<125x136xf32, #tpu.memory_space<hbm>>
      %dma_start3A_187 = arith.constant 0 : i32
      %dma_start3A_188 = tpu.memref_slice %arg12[%add3A_166, %dma_start3A_187] : memref<10080x136xf32, #tpu.memory_space<vmem_shared>> -> memref<125x136xf32, #tpu.memory_space<vmem_shared>>
      tpu.enqueue_dma source(%dma_start3A_188 : memref<125x136xf32, #tpu.memory_space<vmem_shared>>) target(%dma_start3A_186 : memref<125x136xf32, #tpu.memory_space<hbm>>) target_semaphore(%run_scoped3A : memref<!tpu.dma_semaphore, #tpu.memory_space<semaphore_mem>>)
      %dma_wait3A_189 = arith.constant 0 : i32
      %dma_wait3A_190 = tpu.memref_slice %arg6[%add3A_169, %dma_wait3A_189] : memref<20000x136xf32, #tpu.memory_space<hbm>> -> memref<125x136xf32, #tpu.memory_space<hbm>>
      %dma_wait3A_191 = arith.constant 0 : i32
      %dma_wait3A_192 = tpu.memref_slice %arg12[%add3A_166, %dma_wait3A_191] : memref<10080x136xf32, #tpu.memory_space<vmem_shared>> -> memref<125x136xf32, #tpu.memory_space<vmem_shared>>
      tpu.wait_dma2 semaphore(%run_scoped3A : memref<!tpu.dma_semaphore, #tpu.memory_space<semaphore_mem>>) src(%dma_wait3A_192 : memref<125x136xf32, #tpu.memory_space<vmem_shared>>) dst(%dma_wait3A_190 : memref<125x136xf32, #tpu.memory_space<hbm>>)
      tpu.yield
    }) : () -> ()
    %add3A_170 = arith.constant 250 : i32
    %add3A_171 = arith.addi %mul3A_4, %add3A_170 : i32
    %mul3A_172 = arith.constant 10000 : i32
    %mul3A_173 = arith.muli %arg0, %mul3A_172 : i32
    %add3A_174 = arith.addi %mul3A_173, %add3A_171 : i32
    "tpu.region"() ({
      %run_scoped3A = tpu.sem_alloc : memref<!tpu.dma_semaphore, #tpu.memory_space<semaphore_mem>>
      %dma_start3A_185 = arith.constant 0 : i32
      %dma_start3A_186 = tpu.memref_slice %arg6[%add3A_174, %dma_start3A_185] : memref<20000x136xf32, #tpu.memory_space<hbm>> -> memref<125x136xf32, #tpu.memory_space<hbm>>
      %dma_start3A_187 = arith.constant 0 : i32
      %dma_start3A_188 = tpu.memref_slice %arg12[%add3A_171, %dma_start3A_187] : memref<10080x136xf32, #tpu.memory_space<vmem_shared>> -> memref<125x136xf32, #tpu.memory_space<vmem_shared>>
      tpu.enqueue_dma source(%dma_start3A_188 : memref<125x136xf32, #tpu.memory_space<vmem_shared>>) target(%dma_start3A_186 : memref<125x136xf32, #tpu.memory_space<hbm>>) target_semaphore(%run_scoped3A : memref<!tpu.dma_semaphore, #tpu.memory_space<semaphore_mem>>)
      %dma_wait3A_189 = arith.constant 0 : i32
      %dma_wait3A_190 = tpu.memref_slice %arg6[%add3A_174, %dma_wait3A_189] : memref<20000x136xf32, #tpu.memory_space<hbm>> -> memref<125x136xf32, #tpu.memory_space<hbm>>
      %dma_wait3A_191 = arith.constant 0 : i32
      %dma_wait3A_192 = tpu.memref_slice %arg12[%add3A_171, %dma_wait3A_191] : memref<10080x136xf32, #tpu.memory_space<vmem_shared>> -> memref<125x136xf32, #tpu.memory_space<vmem_shared>>
      tpu.wait_dma2 semaphore(%run_scoped3A : memref<!tpu.dma_semaphore, #tpu.memory_space<semaphore_mem>>) src(%dma_wait3A_192 : memref<125x136xf32, #tpu.memory_space<vmem_shared>>) dst(%dma_wait3A_190 : memref<125x136xf32, #tpu.memory_space<hbm>>)
      tpu.yield
    }) : () -> ()
    %add3A_175 = arith.constant 375 : i32
    %add3A_176 = arith.addi %mul3A_4, %add3A_175 : i32
    %mul3A_177 = arith.constant 10000 : i32
    %mul3A_178 = arith.muli %arg0, %mul3A_177 : i32
    %add3A_179 = arith.addi %mul3A_178, %add3A_176 : i32
    "tpu.region"() ({
      %run_scoped3A = tpu.sem_alloc : memref<!tpu.dma_semaphore, #tpu.memory_space<semaphore_mem>>
      %dma_start3A_185 = arith.constant 0 : i32
      %dma_start3A_186 = tpu.memref_slice %arg6[%add3A_179, %dma_start3A_185] : memref<20000x136xf32, #tpu.memory_space<hbm>> -> memref<125x136xf32, #tpu.memory_space<hbm>>
      %dma_start3A_187 = arith.constant 0 : i32
      %dma_start3A_188 = tpu.memref_slice %arg12[%add3A_176, %dma_start3A_187] : memref<10080x136xf32, #tpu.memory_space<vmem_shared>> -> memref<125x136xf32, #tpu.memory_space<vmem_shared>>
      tpu.enqueue_dma source(%dma_start3A_188 : memref<125x136xf32, #tpu.memory_space<vmem_shared>>) target(%dma_start3A_186 : memref<125x136xf32, #tpu.memory_space<hbm>>) target_semaphore(%run_scoped3A : memref<!tpu.dma_semaphore, #tpu.memory_space<semaphore_mem>>)
      %dma_wait3A_189 = arith.constant 0 : i32
      %dma_wait3A_190 = tpu.memref_slice %arg6[%add3A_179, %dma_wait3A_189] : memref<20000x136xf32, #tpu.memory_space<hbm>> -> memref<125x136xf32, #tpu.memory_space<hbm>>
      %dma_wait3A_191 = arith.constant 0 : i32
      %dma_wait3A_192 = tpu.memref_slice %arg12[%add3A_176, %dma_wait3A_191] : memref<10080x136xf32, #tpu.memory_space<vmem_shared>> -> memref<125x136xf32, #tpu.memory_space<vmem_shared>>
      tpu.wait_dma2 semaphore(%run_scoped3A : memref<!tpu.dma_semaphore, #tpu.memory_space<semaphore_mem>>) src(%dma_wait3A_192 : memref<125x136xf32, #tpu.memory_space<vmem_shared>>) dst(%dma_wait3A_190 : memref<125x136xf32, #tpu.memory_space<hbm>>)
      tpu.yield
    }) : () -> ()
    %add3A_180 = arith.constant 500 : i32
    %add3A_181 = arith.addi %mul3A_4, %add3A_180 : i32
    %mul3A_182 = arith.constant 10000 : i32
    %mul3A_183 = arith.muli %arg0, %mul3A_182 : i32
    %add3A_184 = arith.addi %mul3A_183, %add3A_181 : i32
    "tpu.region"() ({
      %run_scoped3A = tpu.sem_alloc : memref<!tpu.dma_semaphore, #tpu.memory_space<semaphore_mem>>
      %dma_start3A_185 = arith.constant 0 : i32
      %dma_start3A_186 = tpu.memref_slice %arg6[%add3A_184, %dma_start3A_185] : memref<20000x136xf32, #tpu.memory_space<hbm>> -> memref<125x136xf32, #tpu.memory_space<hbm>>
      %dma_start3A_187 = arith.constant 0 : i32
      %dma_start3A_188 = tpu.memref_slice %arg12[%add3A_181, %dma_start3A_187] : memref<10080x136xf32, #tpu.memory_space<vmem_shared>> -> memref<125x136xf32, #tpu.memory_space<vmem_shared>>
      tpu.enqueue_dma source(%dma_start3A_188 : memref<125x136xf32, #tpu.memory_space<vmem_shared>>) target(%dma_start3A_186 : memref<125x136xf32, #tpu.memory_space<hbm>>) target_semaphore(%run_scoped3A : memref<!tpu.dma_semaphore, #tpu.memory_space<semaphore_mem>>)
      %dma_wait3A_189 = arith.constant 0 : i32
      %dma_wait3A_190 = tpu.memref_slice %arg6[%add3A_184, %dma_wait3A_189] : memref<20000x136xf32, #tpu.memory_space<hbm>> -> memref<125x136xf32, #tpu.memory_space<hbm>>
      %dma_wait3A_191 = arith.constant 0 : i32
      %dma_wait3A_192 = tpu.memref_slice %arg12[%add3A_181, %dma_wait3A_191] : memref<10080x136xf32, #tpu.memory_space<vmem_shared>> -> memref<125x136xf32, #tpu.memory_space<vmem_shared>>
      tpu.wait_dma2 semaphore(%run_scoped3A : memref<!tpu.dma_semaphore, #tpu.memory_space<semaphore_mem>>) src(%dma_wait3A_192 : memref<125x136xf32, #tpu.memory_space<vmem_shared>>) dst(%dma_wait3A_190 : memref<125x136xf32, #tpu.memory_space<hbm>>)
      tpu.yield
    }) : () -> ()
    return
  }
}

module attributes {stable_mosaic.version = 14 : i64} {
  func.func @_proj_body(%arg0: i32, %arg1: memref<1000x128xf32, #tpu.memory_space<vmem>>, %arg2: memref<128x384xf32, #tpu.memory_space<vmem>>, %arg3: memref<1x384xf32, #tpu.memory_space<vmem>>, %arg4: memref<1000x128xf32, #tpu.memory_space<vmem>>, %arg5: memref<1000x256xf32, #tpu.memory_space<vmem>>) attributes {dimension_semantics = [#tpu.dimension_semantics<arbitrary>], iteration_bounds = array<i64: 10>, scalar_prefetch = 0 : i64, scratch_operands = 0 : i64, tpu.core_type = #tpu.core_type<tc>, window_params = [{transform_indices = @transform_0, window_bounds = array<i64: 1000, 128>}, {pipeline_mode = #tpu.pipeline_mode<synchronous>, transform_indices = @transform_1, window_bounds = array<i64: 128, 384>}, {pipeline_mode = #tpu.pipeline_mode<synchronous>, transform_indices = @transform_2, window_bounds = array<i64: 1, 384>}, {transform_indices = @transform_3, window_bounds = array<i64: 1000, 128>}, {transform_indices = @transform_4, window_bounds = array<i64: 1000, 256>}]} {
    %get3A = arith.constant 0 : index
    %get3A_0 = arith.constant 0 : index
    %get3A_1 = vector.load %arg1[%get3A, %get3A_0] : memref<1000x128xf32, #tpu.memory_space<vmem>>, vector<1000x128xf32>
    %get3A_2 = arith.constant 0 : index
    %get3A_3 = arith.constant 0 : index
    %get3A_4 = vector.load %arg2[%get3A_2, %get3A_3] : memref<128x384xf32, #tpu.memory_space<vmem>>, vector<128x384xf32>
    %dot_general3A = arith.constant dense<0.000000e+00> : vector<1000x384xf32>
    %dot_general3A_5 = tpu.matmul %get3A_1, %get3A_4, %dot_general3A {dimension_numbers = #tpu.dot_dimension_numbers<[1], [0], [0], [1], [0, 0, 1, 1], [], []>, transpose_lhs_hint = false} : vector<1000x128xf32>, vector<128x384xf32>, vector<1000x384xf32> -> vector<1000x384xf32>
    %get3A_6 = arith.constant 0 : index
    %get3A_7 = arith.constant 0 : index
    %get3A_8 = vector.load %arg3[%get3A_6, %get3A_7] : memref<1x384xf32, #tpu.memory_space<vmem>>, vector<1x384xf32>
    %add3A = vector.broadcast %get3A_8 : vector<1x384xf32> to vector<1000x384xf32>
    %add3A_9 = arith.addf %dot_general3A_5, %add3A : vector<1000x384xf32>
    %slice3A = vector.extract_strided_slice %add3A_9 {offsets = [0, 0], sizes = [1000, 128], strides = [1, 1]} : vector<1000x384xf32> to vector<1000x128xf32>
    %swap3A = arith.constant 0 : index
    %swap3A_10 = arith.constant 0 : index
    %swap3A_11 = vector.load %arg4[%swap3A, %swap3A_10] : memref<1000x128xf32, #tpu.memory_space<vmem>>, vector<1000x128xf32>
    tpu.vector_store %arg4[%swap3A, %swap3A_10], %slice3A {strides = array<i32>} : memref<1000x128xf32, #tpu.memory_space<vmem>>, vector<1000x128xf32>,
    %slice3A_12 = vector.extract_strided_slice %add3A_9 {offsets = [0, 128], sizes = [1000, 256], strides = [1, 1]} : vector<1000x384xf32> to vector<1000x256xf32>
    %swap3A_13 = arith.constant 0 : index
    %swap3A_14 = arith.constant 0 : index
    %swap3A_15 = vector.load %arg5[%swap3A_13, %swap3A_14] : memref<1000x256xf32, #tpu.memory_space<vmem>>, vector<1000x256xf32>
    tpu.vector_store %arg5[%swap3A_13, %swap3A_14], %slice3A_12 {strides = array<i32>} : memref<1000x256xf32, #tpu.memory_space<vmem>>, vector<1000x256xf32>,
    return
  }
  func.func @transform_0(%arg0: i32) -> (i32, i32) {
    %c0_i32 = arith.constant 0 : i32
    %c0_i32_0 = arith.constant 0 : i32
    return %arg0, %c0_i32 : i32, i32
  }
  func.func @transform_1(%arg0: i32) -> (i32, i32) {
    %c0_i32 = arith.constant 0 : i32
    %c0_i32_0 = arith.constant 0 : i32
    %c0_i32_1 = arith.constant 0 : i32
    return %c0_i32, %c0_i32_0 : i32, i32
  }
  func.func @transform_2(%arg0: i32) -> (i32, i32) {
    %c0_i32 = arith.constant 0 : i32
    %c0_i32_0 = arith.constant 0 : i32
    %c0_i32_1 = arith.constant 0 : i32
    return %c0_i32, %c0_i32_0 : i32, i32
  }
  func.func @transform_3(%arg0: i32) -> (i32, i32) {
    %c0_i32 = arith.constant 0 : i32
    %c0_i32_0 = arith.constant 0 : i32
    return %arg0, %c0_i32 : i32, i32
  }
  func.func @transform_4(%arg0: i32) -> (i32, i32) {
    %c0_i32 = arith.constant 0 : i32
    %c0_i32_0 = arith.constant 0 : i32
    return %arg0, %c0_i32 : i32, i32
  }
}

module attributes {stable_mosaic.version = 14 : i64} {
  func.func @_final_body(%arg0: i32, %arg1: memref<1000x136xf32, #tpu.memory_space<vmem>>, %arg2: memref<1000x136xf32, #tpu.memory_space<vmem>>, %arg3: memref<1000x128xf32, #tpu.memory_space<vmem>>, %arg4: memref<128x128xf32, #tpu.memory_space<vmem>>, %arg5: memref<1x128xf32, #tpu.memory_space<vmem>>, %arg6: memref<1x1xf32, #tpu.memory_space<vmem>>, %arg7: memref<1000x128xf32, #tpu.memory_space<vmem>>) attributes {dimension_semantics = [#tpu.dimension_semantics<arbitrary>], iteration_bounds = array<i64: 10>, scalar_prefetch = 0 : i64, scratch_operands = 0 : i64, tpu.core_type = #tpu.core_type<tc>, window_params = [{transform_indices = @transform_0, window_bounds = array<i64: 1000, 136>}, {transform_indices = @transform_1, window_bounds = array<i64: 1000, 136>}, {transform_indices = @transform_2, window_bounds = array<i64: 1000, 128>}, {pipeline_mode = #tpu.pipeline_mode<synchronous>, transform_indices = @transform_3, window_bounds = array<i64: 128, 128>}, {pipeline_mode = #tpu.pipeline_mode<synchronous>, transform_indices = @transform_4, window_bounds = array<i64: 1, 128>}, {pipeline_mode = #tpu.pipeline_mode<synchronous>, transform_indices = @transform_5, window_bounds = array<i64: 1, 1>}, {transform_indices = @transform_6, window_bounds = array<i64: 1000, 128>}]} {
    %get3A = arith.constant 0 : index
    %get3A_0 = arith.constant 0 : index
    %get3A_1 = vector.load %arg1[%get3A, %get3A_0] : memref<1000x136xf32, #tpu.memory_space<vmem>>, vector<1000x136xf32>
    %get3A_2 = arith.constant 0 : index
    %get3A_3 = arith.constant 0 : index
    %get3A_4 = vector.load %arg2[%get3A_2, %get3A_3] : memref<1000x136xf32, #tpu.memory_space<vmem>>, vector<1000x136xf32>
    %add3A = arith.addf %get3A_1, %get3A_4 : vector<1000x136xf32>
    %slice3A = vector.extract_strided_slice %add3A {offsets = [0, 0], sizes = [1000, 128], strides = [1, 1]} : vector<1000x136xf32> to vector<1000x128xf32>
    %slice3A_5 = vector.extract_strided_slice %add3A {offsets = [0, 128], sizes = [1000, 8], strides = [1, 1]} : vector<1000x136xf32> to vector<1000x8xf32>
    %max3A = arith.constant 1.000000e-30 : f32
    %max3A_6 = vector.broadcast %max3A : f32 to vector<1000x8xf32>
    %max3A_7 = arith.maximumf %slice3A_5, %max3A_6 : vector<1000x8xf32>
    %div3A = arith.constant 1.000000e+00 : f32
    %div3A_8 = vector.broadcast %div3A : f32 to vector<1000x8xf32>
    %div3A_9 = arith.divf %div3A_8, %max3A_7 : vector<1000x8xf32>
    %iota3A = tpu.iota {dimensions = array<i32: 0>} : vector<8x128xi32>
    %iota3A_10 = tpu.iota {dimensions = array<i32: 1>} : vector<8x128xi32>
    %jit3A = arith.constant 16 : i32
    %div3A_11 = vector.broadcast %jit3A : i32 to vector<8x128xi32>
    %div3A_12 = arith.divsi %iota3A_10, %div3A_11 : vector<8x128xi32>
    %sign3A = arith.constant 0 : i32
    %sign3A_13 = vector.broadcast %sign3A : i32 to vector<8x128xi32>
    %sign3A_14 = arith.cmpi sgt, %iota3A_10, %sign3A_13 : vector<8x128xi32>
    %sign3A_15 = arith.extui %sign3A_14 : vector<8x128xi1> to vector<8x128xi32>
    %sign3A_16 = arith.constant 0 : i32
    %sign3A_17 = vector.broadcast %sign3A_16 : i32 to vector<8x128xi32>
    %sign3A_18 = arith.cmpi slt, %iota3A_10, %sign3A_17 : vector<8x128xi32>
    %sign3A_19 = arith.extui %sign3A_18 : vector<8x128xi1> to vector<8x128xi32>
    %sign3A_20 = arith.subi %sign3A_15, %sign3A_19 : vector<8x128xi32>
    %sign3A_21 = arith.constant 0 : i32
    %sign3A_22 = arith.cmpi sgt, %jit3A, %sign3A_21 : i32
    %sign3A_23 = arith.extui %sign3A_22 : i1 to i32
    %sign3A_24 = arith.constant 0 : i32
    %sign3A_25 = arith.cmpi slt, %jit3A, %sign3A_24 : i32
    %sign3A_26 = arith.extui %sign3A_25 : i1 to i32
    %sign3A_27 = arith.subi %sign3A_23, %sign3A_26 : i32
    %ne3A = vector.broadcast %sign3A_27 : i32 to vector<8x128xi32>
    %ne3A_28 = arith.cmpi ne, %sign3A_20, %ne3A : vector<8x128xi32>
    %rem3A = vector.broadcast %jit3A : i32 to vector<8x128xi32>
    %rem3A_29 = arith.remsi %iota3A_10, %rem3A : vector<8x128xi32>
    %ne3A_30 = arith.constant 0 : i32
    %ne3A_31 = vector.broadcast %ne3A_30 : i32 to vector<8x128xi32>
    %ne3A_32 = arith.cmpi ne, %rem3A_29, %ne3A_31 : vector<8x128xi32>
    %and3A = arith.andi %ne3A_28, %ne3A_32 : vector<8x128xi1>
    %sub3A = arith.constant 1 : i32
    %sub3A_33 = vector.broadcast %sub3A : i32 to vector<8x128xi32>
    %sub3A_34 = arith.subi %div3A_12, %sub3A_33 : vector<8x128xi32>
    %select_n3A = arith.select %and3A, %sub3A_34, %div3A_12 : vector<8x128xi1>, vector<8x128xi32>
    %eq3A = arith.cmpi eq, %iota3A, %select_n3A : vector<8x128xi32>
    %convert_element_type3A = arith.extui %eq3A : vector<8x128xi1> to vector<8x128xi32>
    %convert_element_type3A_35 = arith.sitofp %convert_element_type3A : vector<8x128xi32> to vector<8x128xf32>
    %dot_general3A = arith.constant dense<0.000000e+00> : vector<1000x128xf32>
    %dot_general3A_36 = tpu.matmul %div3A_9, %convert_element_type3A_35, %dot_general3A {dimension_numbers = #tpu.dot_dimension_numbers<[1], [0], [0], [1], [0, 0, 1, 1], [], []>, transpose_lhs_hint = false} : vector<1000x8xf32>, vector<8x128xf32>, vector<1000x128xf32> -> vector<1000x128xf32>
    %mul3A = arith.mulf %slice3A, %dot_general3A_36 : vector<1000x128xf32>
    %get3A_37 = arith.constant 0 : index
    %get3A_38 = arith.constant 0 : index
    %get3A_39 = vector.load %arg4[%get3A_37, %get3A_38] : memref<128x128xf32, #tpu.memory_space<vmem>>, vector<128x128xf32>
    %dot_general3A_40 = arith.constant dense<0.000000e+00> : vector<1000x128xf32>
    %dot_general3A_41 = tpu.matmul %mul3A, %get3A_39, %dot_general3A_40 {dimension_numbers = #tpu.dot_dimension_numbers<[1], [0], [0], [1], [0, 0, 1, 1], [], []>, transpose_lhs_hint = false} : vector<1000x128xf32>, vector<128x128xf32>, vector<1000x128xf32> -> vector<1000x128xf32>
    %get3A_42 = arith.constant 0 : index
    %get3A_43 = arith.constant 0 : index
    %get3A_44 = vector.load %arg5[%get3A_42, %get3A_43] : memref<1x128xf32, #tpu.memory_space<vmem>>, vector<1x128xf32>
    %add3A_45 = vector.broadcast %get3A_44 : vector<1x128xf32> to vector<1000x128xf32>
    %add3A_46 = arith.addf %dot_general3A_41, %add3A_45 : vector<1000x128xf32>
    %get3A_47 = arith.constant 0 : index
    %get3A_48 = arith.constant 0 : index
    %get3A_49 = vector.load %arg6[%get3A_47, %get3A_48] : memref<1x1xf32, #tpu.memory_space<vmem>>, vector<1x1xf32>
    %get3A_50 = vector.extract %get3A_49[0, 0] : f32 from vector<1x1xf32>
    %neg3A = arith.constant 0.000000e+00 : f32
    %neg3A_51 = arith.subf %neg3A, %get3A_50 : f32
    %exp3A = math.exp %neg3A_51 : f32
    %add3A_52 = arith.constant 1.000000e+00 : f32
    %add3A_53 = arith.addf %add3A_52, %exp3A : f32
    %div3A_54 = arith.constant 1.000000e+00 : f32
    %div3A_55 = arith.divf %div3A_54, %add3A_53 : f32
    %mul3A_56 = vector.broadcast %div3A_55 : f32 to vector<1000x128xf32>
    %mul3A_57 = arith.mulf %add3A_46, %mul3A_56 : vector<1000x128xf32>
    %get3A_58 = arith.constant 0 : index
    %get3A_59 = arith.constant 0 : index
    %get3A_60 = vector.load %arg3[%get3A_58, %get3A_59] : memref<1000x128xf32, #tpu.memory_space<vmem>>, vector<1000x128xf32>
    %sub3A_61 = arith.constant 1.000000e+00 : f32
    %sub3A_62 = arith.subf %sub3A_61, %div3A_55 : f32
    %mul3A_63 = vector.broadcast %sub3A_62 : f32 to vector<1000x128xf32>
    %mul3A_64 = arith.mulf %get3A_60, %mul3A_63 : vector<1000x128xf32>
    %add3A_65 = arith.addf %mul3A_57, %mul3A_64 : vector<1000x128xf32>
    %swap3A = arith.constant 0 : index
    %swap3A_66 = arith.constant 0 : index
    %swap3A_67 = vector.load %arg7[%swap3A, %swap3A_66] : memref<1000x128xf32, #tpu.memory_space<vmem>>, vector<1000x128xf32>
    tpu.vector_store %arg7[%swap3A, %swap3A_66], %add3A_65 {strides = array<i32>} : memref<1000x128xf32, #tpu.memory_space<vmem>>, vector<1000x128xf32>,
    return
  }
  func.func @transform_0(%arg0: i32) -> (i32, i32) {
    %c0_i32 = arith.constant 0 : i32
    %c0_i32_0 = arith.constant 0 : i32
    return %arg0, %c0_i32 : i32, i32
  }
  func.func @transform_1(%arg0: i32) -> (i32, i32) {
    %add3A = arith.constant 10 : i32
    %add3A_0 = arith.addi %arg0, %add3A : i32
    %c0_i32 = arith.constant 0 : i32
    %c0_i32_1 = arith.constant 0 : i32
    return %add3A_0, %c0_i32 : i32, i32
  }
  func.func @transform_2(%arg0: i32) -> (i32, i32) {
    %c0_i32 = arith.constant 0 : i32
    %c0_i32_0 = arith.constant 0 : i32
    return %arg0, %c0_i32 : i32, i32
  }
  func.func @transform_3(%arg0: i32) -> (i32, i32) {
    %c0_i32 = arith.constant 0 : i32
    %c0_i32_0 = arith.constant 0 : i32
    %c0_i32_1 = arith.constant 0 : i32
    return %c0_i32, %c0_i32_0 : i32, i32
  }
  func.func @transform_4(%arg0: i32) -> (i32, i32) {
    %c0_i32 = arith.constant 0 : i32
    %c0_i32_0 = arith.constant 0 : i32
    %c0_i32_1 = arith.constant 0 : i32
    return %c0_i32, %c0_i32_0 : i32, i32
  }
  func.func @transform_5(%arg0: i32) -> (i32, i32) {
    %c0_i32 = arith.constant 0 : i32
    %c0_i32_0 = arith.constant 0 : i32
    %c0_i32_1 = arith.constant 0 : i32
    return %c0_i32, %c0_i32_0 : i32, i32
  }
  func.func @transform_6(%arg0: i32) -> (i32, i32) {
    %c0_i32 = arith.constant 0 : i32
    %c0_i32_0 = arith.constant 0 : i32
    return %arg0, %c0_i32 : i32, i32
  }
}

</mosaic_0001>

<sc_bundles>
// kernel: kernel.5.cloned.1.call-start
scs
__scs_entry_jumppad:
0x0: {  	(pc) =	sbr.rel $0x88, $3  }
0x1: {  	(tag) =	ssettag $0x0;
	lr =	simm.s32 $0x1  }
0x2: {  	[smem:$0x3F93] =	sst lr;
	_ =	strace $0xD0000000  }
0x3: {  	_ = 	snop  }
0x4: {  	_ = 	snop  }
0x5: {  	_ = 	snop  }
0x6: {  	_ = 	snop  }
0x7: {  	_ = 	snop  }
__scs_overlays_trampoline_lowered:
0x8: {  	[smem:$0x3FA2] =	sst s0  }
0x9: {  	[smem:$0x3FA3] =	sst s1  }
0xa: {  	[smem:$0x3FA4] =	sst s2  }
0xb: {  	[smem:$0x3FA5] =	sst s3  }
0xc: {  	[smem:$0x3FA6] =	sst s4  }
0xd: {  	[smem:$0x3FA7] =	sst s5  }
0xe: {  	[smem:$0x3FA8] =	sst s6  }
0xf: {  	[smem:$0x3FA9] =	sst s7  }
0x10: {  	[smem:$0x3FAA] =	sst s8  }
0x11: {  	[smem:$0x3FAB] =	sst s9;
	s0 =	simm.s32 @!p0 $0x0  }
0x12: {  	s1 =	sld [smem:$0x3F91];
	s0 =	simm.s32 @p0 $0x1  }
0x13: {  	[smem:$0x3FAC] =	sst s0;
	s0 =	simm.s32 @!p1 $0x0  }
0x14: {  	s2 =	sld [smem:$0x3F90];
	s0 =	simm.s32 @p1 $0x1  }
0x15: {  	[smem:$0x3FAD] =	sst s0;
	s0 =	simm.s32 @!p2 $0x0  }
0x16: {  	s3 =	sld [smem:$0x3FDB];
	s0 =	simm.s32 @p2 $0x1  }
0x17: {  	s4 =	simm.s32 $0x1BF5;
	[smem:$0x3FAF] =	sst s0  }
0x18: {  	s0 =	sld [smem:$0x3F92];
	_ =	swait.ge [sflag:s4], $0x0  }
0x19: {  	s7 =	sld [smem:$0x3F93]  }
0x1a: {  	s8 =	sadd.s32 $0xFFFFE003, lr  }
0x1b: {  	s9 =	sadd.s32 $0xFFFFFEF7, lr;
	s5 =	simm.s32 $0xFFFFFFFF;
	p2 =	slt.u32 s8, $0xFFFFF086  }
0x1c: {  	p1 =	slt.u32 s9, $0xF7A;
	s5 =	simm.s32 @!p2 $0x0  }
0x1d: {  	s5 =	simm.s32 @p1 $0x1;
	p0 =	seq.s32 s7, s2  }
0x1e: {  	s7 =	smul.u32 @!p0 $0xF7A, s2;
	p2 =	seq.s32 @!p0 s5, $0x0  }
0x1f: {  	s9 =	smul.u32 $0xF7A, s1;
	s8 =	simm.s32 @!p0 $0x1BF5;
	p2 =	por !p2, p0  }
0x20: {  	[sflag:s8] =	ssyncset.s32 @!p0 $0xFFFFF086;
	s6 =	sadd.s32 @!p0 s3, s7;
	s7 =	simm.s32 @!p0 $0x108  }
0x21: {  	s3 =	sadd.s32 s3, s9;
	s6 =	sadd.s32 @!p0 $0x88, s6;
	s7 =	simm.s32 @p2 $0x1082  }
0x22: {  	[simem:s7], [sflag:s8] =	dma.local @!p0 [hbm:s6], $0xF7A  }
0x23: {  	s9 =	sor.u32 $0xD0000000, s2;
	s6 =	simm.s32 $0x108;
	_ =	swait.ge @!p0 [sflag:s8], $0x0  }
0x24: {  	s3 =	sadd.s32 $0x88, s3;
	s6 =	simm.s32 @!p1 $0x1082;
	[sflag:s4] =	ssyncset.s32 $0xFFFFF086  }
0x25: {  	[simem:s6], [sflag:s4] =	dma.local [hbm:s3], $0xF7A  }
0x26: {  	[smem:$0x3F93] =	sst s1;
	(tag) =	ssettag s2;
	_ =	strace s9  }
0x27: {  	s1 =	sld [smem:$0x3FA3]  }
0x28: {  	s2 =	sld [smem:$0x3FA4]  }
0x29: {  	s4 =	sld [smem:$0x3FA6]  }
0x2a: {  	p0 =	seq.s32 s5, $0x0;
	s5 =	sld [smem:$0x3FA7]  }
0x2b: {  	s6 =	sld [smem:$0x3FA8]  }
0x2c: {  	s7 =	sld [smem:$0x3FA9]  }
0x2d: {  	s3 =	simm.s32 $0x108;
	s8 =	sld [smem:$0x3FAA]  }
0x2e: {  	s3 =	simm.s32 @!p0 $0x1082;
	s9 =	sld [smem:$0x3FAB]  }
0x2f: {  	lr =	sadd.s32 s0, s3;
	s0 =	sld [smem:$0x3FA2]  }
0x30: {  	s3 =	sld [smem:$0x3FA5]  }
0x31: {  	[smem:$0x3FAE] =	sst s10  }
0x32: {  	s10 =	sld [smem:$0x3FAC];
	_ =	sdelay $0x3  }
0x33: {  	p0 =	seq.s32 s10, $0x1;
	s10 =	sld [smem:$0x3FAE];
	_ =	sdelay $0x3  }
0x34: {  	[smem:$0x3FAE] =	sst s10  }
0x35: {  	s10 =	sld [smem:$0x3FAD];
	_ =	sdelay $0x3  }
0x36: {  	p1 =	seq.s32 s10, $0x1;
	s10 =	sld [smem:$0x3FAE];
	_ =	sdelay $0x3  }
0x37: {  	[smem:$0x3FAE] =	sst s10  }
0x38: {  	s10 =	sld [smem:$0x3FAF]  }
0x39: {  	_ = 	snop;
	(pc) =	sbr.ind lr, $3  }
0x3a: {  	_ = 	snop  }
0x3b: {  	_ = 	snop  }
0x3c: {  	p2 =	seq.s32 s10, $0x1;
	s10 =	sld [smem:$0x3FAE]  }
0x3d: {  	_ =	shalt  }
0x3e: {  	_ =	shalt  }
0x3f: {  	_ =	shalt  }
0x40: {  	_ =	shalt  }
0x41: {  	_ =	shalt  }
0x42: {  	_ =	shalt  }
0x43: {  	_ =	shalt  }
0x44: {  	_ =	shalt  }
0x45: {  	_ =	shalt  }
0x46: {  	_ =	shalt  }
0x47: {  	_ =	shalt  }
0x48: {  	_ =	shalt  }
0x49: {  	_ =	shalt  }
0x4a: {  	_ =	shalt  }
0x4b: {  	_ =	shalt  }
0x4c: {  	_ =	shalt  }
0x4d: {  	_ =	shalt  }
0x4e: {  	_ =	shalt  }
0x4f: {  	_ =	shalt  }
0x50: {  	_ =	shalt  }
0x51: {  	_ =	shalt  }
0x52: {  	_ =	shalt  }
0x53: {  	_ =	shalt  }
0x54: {  	_ =	shalt  }
0x55: {  	_ =	shalt  }
0x56: {  	_ =	shalt  }
0x57: {  	_ =	shalt  }
0x58: {  	_ =	shalt  }
0x59: {  	_ =	shalt  }
0x5a: {  	_ =	shalt  }
0x5b: {  	_ =	shalt  }
0x5c: {  	_ =	shalt  }
0x5d: {  	_ =	shalt  }
0x5e: {  	_ =	shalt  }
0x5f: {  	_ =	shalt  }
0x60: {  	_ =	shalt  }
0x61: {  	_ =	shalt  }
0x62: {  	_ =	shalt  }
0x63: {  	_ =	shalt  }
0x64: {  	_ =	shalt  }
0x65: {  	_ =	shalt  }
0x66: {  	_ =	shalt  }
0x67: {  	_ =	shalt  }
0x68: {  	_ =	shalt  }
0x69: {  	_ =	shalt  }
0x6a: {  	_ =	shalt  }
0x6b: {  	_ =	shalt  }
0x6c: {  	_ =	shalt  }
0x6d: {  	_ =	shalt  }
0x6e: {  	_ =	shalt  }
0x6f: {  	_ =	shalt  }
0x70: {  	_ =	shalt  }
0x71: {  	_ =	shalt  }
0x72: {  	_ =	shalt  }
0x73: {  	_ =	shalt  }
0x74: {  	_ =	shalt  }
0x75: {  	_ =	shalt  }
0x76: {  	_ =	shalt  }
0x77: {  	_ =	shalt  }
0x78: {  	_ =	shalt  }
0x79: {  	_ =	shalt  }
0x7a: {  	_ =	shalt  }
0x7b: {  	_ =	shalt  }
0x7c: {  	_ =	shalt  }
0x7d: {  	_ =	shalt  }
0x7e: {  	_ =	shalt  }
0x7f: {  	_ =	shalt  }
0x80: {  	_ =	shalt  }
0x81: {  	_ =	shalt  }
0x82: {  	_ =	shalt  }
0x83: {  	_ =	shalt  }
0x84: {  	_ =	shalt  }
0x85: {  	_ =	shalt  }
0x86: {  	_ =	shalt  }
0x87: {  	_ =	shalt  }
.Lfunc_end0:
.L_simem_size_0:
called_computation_lowered:
.L_overlay_start_0:
0x88: {  	s2 =	sld [smem:$0x3FD9]  }
0x89: {  	s3 =	sld [smem:$0x3FFE];
	_ =	sdelay $0x1  }
0x8a: {  	s1 =	srdreg.scid  }
0x8b: {  	s0 =	sand.u32 $0x1, s1  }
0x8c: {  	s17 =	sshll.u32 s0, $0xA;
	s2 =	sadd.s32 s3, s2  }
0x8d: {  	s2 =	sadd.s32 s2, s17  }
0x8e: {  	[smem:$0x3FBA] =	sst s2  }
0x8f: {  	_ = 	snop  }
0x90: {  	s2 =	sld [smem:$0x3FD0];
	(tm) =	ssettm $0x1  }
0x91: {  	s18 =	sld [smem:$0x3FFB];
	_ =	sdelay $0x3  }
0x92: {  	_ =	strace s18  }
0x93: {  	s3 =	sld [smem:$0x3FFC];
	_ =	sdelay $0x3  }
0x94: {  	_ =	strace s3  }
0x95: {  	s3 =	sld [smem:$0x3FFD];
	_ =	sdelay $0x3  }
0x96: {  	_ =	strace s3  }
0x97: {  	_ =	strace $0x8FFFFFFF  }
0x98: {  	s19 =	sld [smem:$0x3FDB];
	_ =	sdelay $0x1  }
0x99: {  	s4 =	simm.s32 $_scs_section_size  }
0x9a: {  	s5 =	simm.s32 $_size__tile_overlayer_lowered;
	s6 =	simm.s32 $_tile_overlayer_lowered  }
0x9b: {  	s22 =	simm.s32 $0x1BFF;
	s21 =	sshll.u32 s6, $0x1;
	s3 =	sadd.s32 s4, s19  }
0x9c: {  	s7 =	simm.s32 $0x0;
	s20 =	sshll.u32 s5, $0x1;
	s5 =	sadd.s32 s21, s3  }
0x9d: {  	[timem:s7], [sflag:s22] =	dma.local [hbm:s5], s20  }
0x9e: {  	_ =	swait.ge [sflag:s22], s20  }
0x9f: {  	s4 =	ssub.s32 $0x0, s20;
	[sflag:s22] =	ssyncset.done $0x0  }
0xa0: {  	[sflag:s22] =	ssyncadd.s32 s4;
	_ =	sdelay $0x1  }
0xa1: {  	s23 =	simm.s32 $0x1B8B  }
0xa2: {  	_ =	swait.ge [sflag:s23], $0x1  }
0xa3: {  	[sflag:s23] =	ssyncset.done $0x0  }
0xa4: {  	s25 =	simm.s32 $0x1B8E;
	s24 =	sld [smem:$0x3FFE];
	[sflag:s23] =	ssyncadd.s32 $0xFFFFFFFF  }
0xa5: {  	s26 =	simm.s32 $execute0_lowered;
	[smem:$0x3FD2] =	sst s25  }
0xa6: {  	s5 =	sshll.u32 s26, $0x1;
	_ =	strace $0x80000046;
	[dreg:$0x1] =	wrdreg $0xFFFFFFFF  }
0xa7: {  	s28 =	simm.s32 $_size_execute0_lowered;
	s3 =	sadd.s32 s3, s5;
	[dreg:$0x0] =	wrdreg $0x0  }
0xa8: {  	s5 =	sshll.u32 s28, $0x1;
	[dreg:$0x2] =	wrdreg s3  }
0xa9: {  	[dreg:$0x3] =	wrdreg s5  }
0xaa: {  	[dreg:$0x4] =	wrdreg $0xC0  }
0xab: {  	_ =	task [dreg:s7], $0x5FFFF  }
0xac: {  	[dreg:$0x1] =	wrdreg $0xFFFFFFFF  }
0xad: {  	[dreg:$0x0] =	wrdreg $0x60  }
0xae: {  	[dreg:$0x2] =	wrdreg s24  }
0xaf: {  	[dreg:$0x3] =	wrdreg s2  }
0xb0: {  	[dreg:$0x4] =	wrdreg $0xAAA00  }
0xb1: {  	[dreg:$0x5] =	wrdreg $0x9  }
0xb2: {  	_ =	task.clear_ibuf [dreg:s7], $0x6FFFF;
	_ =	strace $0x90000046  }
0xb3: {  	s29 =	simm.s32 $0x9;
	_ =	strace $0x80000048  }
0xb4: {  	_ =	swait.ge [sflag:s29], $0x1  }
0xb5: {  	[sflag:s29] =	ssyncadd.s32 $0xFFFFFFFF  }
0xb6: {  	_ =	strace $0x90000048  }
0xb7: {  	_ =	sfence  }
0xb8: {  	s30 =	sld [smem:$0x0];
	_ =	sdelay $0x2  }
0xb9: {  	s31 =	sshll.u32 s1, $0xD;
	s1 =	sshrl.u32 s1, $0x2  }
0xba: {  	s3 =	sand.u32 $0x4000, s31;
	s1 =	sadd.s32 s1, s30  }
0xbb: {  	s0 =	sor.u32 s3, s0;
	s1 =	sshll.u32 s1, $0x11  }
0xbc: {  	s0 =	sor.u32 s1, s0  }
0xbd: {  	s0 =	sadd.s32 $0x8F2B, s0  }
0xbe: {  	[sflag:s0] =	ssyncadd.remote.s32 $0x1  }
0xbf: {  	_ =	sfence.sel $0xFFFF  }
0xc0: {  	[dreg:$0x0] =	wrdreg $0xFFFFFFFF;
	(pc) =	sbr.abs _section_cstart, $3  }
0xc1: {  	[dreg:$0x1] =	wrdreg $0xFFFFFFFF  }
0xc2: {  	_ =	task.clear_ibuf [dreg:s7], $0x2FFFF;
	_ =	strace $0x9FFFFFFF  }
0xc3: {  	(tm) =	ssettm $0x7FFFFFFF  }
tec
execute0_lowered:
.L_overlay_start_1:
0x0: {  	(tag) =	ssettag $0x1  }
0x1: {  	s0 =	rddreg [dreg:$0x0]  }
0x2: {  	s1 =	rddreg [dreg:$0x1]  }
0x3: {  	s2 =	rddreg [dreg:$0x2]  }
0x4: {  	s3 =	simm.s32 $0x0;
	s4 =	srdreg.scid;
	s12 =	stileid.u32  }
0x5: {  	[smem:$0x7FF] =	sst s3;
	s5 =	sadd.s32 $0x4F000, s0;
	s4 =	sand.u32 $0x1, s4  }
0x6: {  	s6 =	sadd.s32 $0xE00, s0;
	s7 =	sadd.s32 $0x76600, s0;
	s10 =	smul.u32 $0x53020, s12  }
0x7: {  	s0 =	sadd.s32 $0x80400, s0;
	_ =	strace $0x80000047;
	s8 =	sshll.u32 s4, $0x4  }
0x8: {  	s9 =	ssub.s32 $0x2, s4;
	s4 =	smul.u32 $0x2710, s4;
	s8 =	sor.u32 s12, s8  }
0x9: {  	s11 =	sshrl.u32 s9, $0x1;
	s12 =	smul.u32 $0x271, s12;
	s13 =	sshrl.u32 s10, $0x2  }
0xa: {  	s18 =	sadd.s32 $0x21340, s10;
	s11 =	ssub.s32 s9, s11;
	s9 =	sadd.s32 s13, s2  }
0xb: {  	s20 =	sadd.s32 $0x31CE0, s10;
	s10 =	sadd.s32 $0x42680, s10;
	s13 =	sadd.s32 $0x1980, s9  }
0xc: {  	s8 =	smul.u32 $0x2760, s8;
	s25 =	sadd.s32 $0x3300, s9;
	[dreg:$0x4] =	wrdreg s13  }
0xd: {  	s10 =	sshrl.u32 s10, $0x2;
	s26 =	sadd.s32 $0x4C80, s9;
	[dreg:$0x5] =	wrdreg s25  }
0xe: {  	s28 =	sadd.s32 $0x6600, s9;
	s29 =	sadd.s32 $0x7F80, s9;
	[dreg:$0x6] =	wrdreg s26  }
0xf: {  	s30 =	sadd.s32 s12, s4;
	s12 =	sadd.s32 $0x7D, s12;
	[dreg:$0x7] =	wrdreg s28  }
0x10: {  	s10 =	sadd.s32 s10, s2;
	s11 =	smax.u32 s11, $0x1;
	[dreg:$0x8] =	wrdreg s29  }
0x11: {  	s24 =	sadd.s32 $0x9900, s9;
	s14 =	sshrl.u32 s8, $0x3;
	[dreg:$0xe] =	wrdreg s11  }
0x12: {  	s13 =	smul.u32 $0x11, s30;
	s23 =	sshrl.u32 s10, $0x3;
	[dreg:$0x13] =	wrdreg s24  }
0x13: {  	s4 =	sadd.s32 s4, s12;
	s25 =	sadd.s32 $0xB280, s9;
	[dreg:$0x12] =	wrdreg s23  }
0x14: {  	s12 =	smul.u32 $0x220, s12;
	s26 =	sadd.s32 $0xCC00, s9;
	[dreg:$0x14] =	wrdreg s25  }
0x15: {  	s28 =	sadd.s32 $0xE580, s9;
	s29 =	sadd.s32 $0xFF00, s9;
	[dreg:$0x15] =	wrdreg s26  }
0x16: {  	s30 =	sadd.s32 $0x11880, s9;
	s10 =	sadd.s32 $0x14B80, s9;
	[dreg:$0x16] =	wrdreg s28  }
0x17: {  	s24 =	simm.s32 $0x0;
	s15 =	sadd.s32 s1, s14;
	[dreg:$0x17] =	wrdreg s29  }
0x18: {  	s31 =	sadd.s32 s7, s14;
	s14 =	sadd.s32 $0x6, s14;
	[dreg:$0x18] =	wrdreg s30  }
0x19: {  	s4 =	smul.u32 $0x11, s4;
	s23 =	simm.s32 $0xB;
	[dreg:$0x9] =	wrdreg s15  }
0x1a: {  	[dreg:$0xa] =	wrdreg s31;
	s16 =	sadd.s32 s1, s14;
	s14 =	sadd.s32 s7, s14  }
0x1b: {  	s12 =	sshrl.u32 s12, $0x2;
	s19 =	sadd.s32 s0, s13;
	[dreg:$0xb] =	wrdreg s16  }
0x1c: {  	v0 =	vlaneseq.u32;
	v1 =	vimm.f32 $0.0e+00;
	v4 =	vimm.s32 $0x67452301;
	s31 =	sadd.s32 $0x13200, s9;
	s15 =	simm.s32 $0xC;
	[dreg:$0xc] =	wrdreg s14  }
0x1d: {  	v6 =	vimm.s32 $0x54761032;
	v7 =	vimm.s32 $0x45670123;
	v8 =	vimm.s32 $0x32107654;
	s0 =	sadd.s32 s0, s4;
	s17 =	sadd.s32 s12, s2;
	s4 =	sshrl.u32 s18, $0x2  }
0x1e: {  	v9 =	vimm.s32 $0x23016745;
	v10 =	vimm.s32 $0x10325476;
	v2 =	vshrl.u32 v0, $0x3;
	s12 =	sshrl.u32 s20, $0x2;
	[dreg:$0x19] =	wrdreg s31;
	s11 =	sadd.s32 $0x109A, s19  }
0x1f: {  	v5 =	vunpack.c.l.s4.s8 v4;
	v4 =	vand.u32 $0x7, v0;
	v6 =	vunpack.c.l.s4.s8 v6;
	s13 =	sadd.s32 $0x2134, s19;
	s14 =	simm.s32 $0x9120;
	s16 =	simm.s32 $0x90  }
0x20: {  	v7 =	vunpack.c.l.s4.s8 v7;
	v8 =	vunpack.c.l.s4.s8 v8;
	v9 =	vunpack.c.l.s4.s8 v9;
	s18 =	simm.s32 $0x5;
	s20 =	simm.s32 $0x8;
	[dreg:$0xd] =	wrdreg s0  }
0x21: {  	v10 =	vunpack.c.l.s4.s8 v10;
	v3 =	vmul.u32 $0xFFFFFFF8, v2;
	v2 =	vmul.u32 $0x8, v2;
	s4 =	sadd.s32 s4, s2;
	s12 =	sadd.s32 s12, s2;
	s0 =	sshrl.u32 s17, $0x3  }
0x22: {  	v11 =	vmul.u32 $0xFFFFFFFF, v4;
	v5 =	vunpack.c.0.s8.s32 v5;
	v6 =	vunpack.c.0.s8.s32 v6;
	s17 =	simm.s32 $0x30;
	[dreg:$0xf] =	wrdreg s0;
	s21 =	sshrl.u32 s4, $0x3  }
0x23: {  	v7 =	vunpack.c.0.s8.s32 v7;
	v8 =	vunpack.c.0.s8.s32 v8;
	v9 =	vunpack.c.0.s8.s32 v9;
	s22 =	sshrl.u32 s12, $0x3;
	s12 =	sadd.s32 $0x18E7, s19;
	[dreg:$0x10] =	wrdreg s21  }
0x24: {  	v10 =	vunpack.c.0.s8.s32 v10;
	v3 =	vadd.s32 $0x8, v3;
	v11 =	vadd.s32 $0x7, v11;
	[dreg:$0x11] =	wrdreg s22;
	s21 =	simm.s32 $0x120;
	s22 =	simm.s32 $0x3120  }
.LBB2_1:
0x25: {  	s0 =	simm.s32 $0x0  }
0x26: {  	s4 =	simm.s32 $0x220;
	[tilespmem:s0+$0x9190] =	vst v1  }
.LBB2_2:
0x27: {  	p0 =	sne.s32 s4, $0x63E0;
	[tilespmem:s0+$0x9198] =	vst v1  }
0x28: {  	[tilespmem:s0+$0x9120] =	vst v1  }
0x29: {  	[tilespmem:s0+$0x9130] =	vst v1  }
0x2a: {  	[tilespmem:s0+$0x9140] =	vst v1  }
.Ltmp0:
0x2b: {  	[tilespmem:s0+$0x9150] =	vst v1;
	(pc) =	sbr.rel @p0 .LBB2_2-.Ltmp0, $4  }
0x2c: {  	[tilespmem:s0+$0x9160] =	vst v1  }
0x2d: {  	[tilespmem:s0+$0x9170] =	vst v1  }
0x2e: {  	[tilespmem:s0+$0x9180] =	vst v1;
	s0 =	sshra.s32 s4, $0x2  }
0x2f: {  	s4 =	sadd.s32 $0x220, s4;
	[tilespmem:s0+$0x9190] =	vst v1  }
0x30: {  	[tilespmem:s0+$0x9198] =	vst v1  }
0x31: {  	[tilespmem:s0+$0x9120] =	vst v1  }
0x32: {  	[tilespmem:s0+$0x9130] =	vst v1  }
0x33: {  	[tilespmem:s0+$0x9140] =	vst v1  }
0x34: {  	[tilespmem:s0+$0x9150] =	vst v1  }
0x35: {  	[tilespmem:s0+$0x9160] =	vst v1  }
0x36: {  	[tilespmem:s0+$0x9170] =	vst v1  }
0x37: {  	[tilespmem:s0+$0x9180] =	vst v1  }
0x38: {  	[spmem:s9] =	stream.linear.scatter [tilespmem:s14], [sflag:$0xC], $0x1980, $0x38;
	[tilespmem:$0x1F950] =	vst v63  }
0x39: {  	_ =	swait.ge [sflag:s15], $0x1980  }
0x3a: {  	[sflag:s15] =	ssyncset.done $0x0  }
0x3b: {  	s30 =	rddreg [dreg:$0x4];
	[sflag:s15] =	ssyncadd.s32 $0xFFFFE680  }
0x3c: {  	[spmem:s30] =	stream.linear.scatter [tilespmem:s14], [sflag:$0xC], $0x1980, $0x38;
	[tilespmem:$0x1F950] =	vst v63  }
0x3d: {  	_ =	swait.ge [sflag:s15], $0x1980  }
0x3e: {  	[sflag:s15] =	ssyncset.done $0x0  }
0x3f: {  	s31 =	rddreg [dreg:$0x5];
	[sflag:s15] =	ssyncadd.s32 $0xFFFFE680  }
0x40: {  	[spmem:s31] =	stream.linear.scatter [tilespmem:s14], [sflag:$0xC], $0x1980, $0x38;
	[tilespmem:$0x1F950] =	vst v63  }
0x41: {  	_ =	swait.ge [sflag:s15], $0x1980  }
0x42: {  	[sflag:s15] =	ssyncset.done $0x0  }
0x43: {  	s4 =	rddreg [dreg:$0x6];
	[sflag:s15] =	ssyncadd.s32 $0xFFFFE680  }
0x44: {  	[spmem:s4] =	stream.linear.scatter [tilespmem:s14], [sflag:$0xC], $0x1980, $0x38;
	[tilespmem:$0x1F950] =	vst v63  }
0x45: {  	_ =	swait.ge [sflag:s15], $0x1980  }
0x46: {  	[sflag:s15] =	ssyncset.done $0x0  }
0x47: {  	s25 =	rddreg [dreg:$0x7];
	[sflag:s15] =	ssyncadd.s32 $0xFFFFE680  }
0x48: {  	[spmem:s25] =	stream.linear.scatter [tilespmem:s14], [sflag:$0xC], $0x1980, $0x38;
	[tilespmem:$0x1F950] =	vst v63  }
0x49: {  	_ =	swait.ge [sflag:s15], $0x1980  }
0x4a: {  	[sflag:s15] =	ssyncset.done $0x0  }
0x4b: {  	s26 =	rddreg [dreg:$0x8];
	[sflag:s15] =	ssyncadd.s32 $0xFFFFE680  }
0x4c: {  	[spmem:s26] =	stream.linear.scatter [tilespmem:s14], [sflag:$0xC], $0x1980, $0x38;
	[tilespmem:$0x1F950] =	vst v63  }
0x4d: {  	_ =	swait.ge [sflag:s15], $0x1980  }
0x4e: {  	[sflag:s15] =	ssyncset.done $0x0  }
0x4f: {  	s28 =	rddreg [dreg:$0x13];
	[sflag:s15] =	ssyncadd.s32 $0xFFFFE680  }
0x50: {  	[spmem:s28] =	stream.linear.scatter [tilespmem:s14], [sflag:$0xC], $0x1980, $0x38;
	[tilespmem:$0x1F950] =	vst v63  }
0x51: {  	_ =	swait.ge [sflag:s15], $0x1980  }
0x52: {  	[sflag:s15] =	ssyncset.done $0x0  }
0x53: {  	s29 =	rddreg [dreg:$0x14];
	[sflag:s15] =	ssyncadd.s32 $0xFFFFE680  }
0x54: {  	[spmem:s29] =	stream.linear.scatter [tilespmem:s14], [sflag:$0xC], $0x1980, $0x38;
	[tilespmem:$0x1F950] =	vst v63  }
0x55: {  	_ =	swait.ge [sflag:s15], $0x1980  }
0x56: {  	[sflag:s15] =	ssyncset.done $0x0  }
0x57: {  	s30 =	rddreg [dreg:$0x15];
	[sflag:s15] =	ssyncadd.s32 $0xFFFFE680  }
0x58: {  	[spmem:s30] =	stream.linear.scatter [tilespmem:s14], [sflag:$0xC], $0x1980, $0x38;
	[tilespmem:$0x1F950] =	vst v63  }
0x59: {  	_ =	swait.ge [sflag:s15], $0x1980  }
0x5a: {  	[sflag:s15] =	ssyncset.done $0x0  }
0x5b: {  	s31 =	rddreg [dreg:$0x16];
	[sflag:s15] =	ssyncadd.s32 $0xFFFFE680  }
0x5c: {  	[spmem:s31] =	stream.linear.scatter [tilespmem:s14], [sflag:$0xC], $0x1980, $0x38;
	[tilespmem:$0x1F950] =	vst v63  }
0x5d: {  	_ =	swait.ge [sflag:s15], $0x1980  }
0x5e: {  	[sflag:s15] =	ssyncset.done $0x0  }
0x5f: {  	s4 =	rddreg [dreg:$0x17];
	[sflag:s15] =	ssyncadd.s32 $0xFFFFE680  }
0x60: {  	[spmem:s4] =	stream.linear.scatter [tilespmem:s14], [sflag:$0xC], $0x1980, $0x38;
	[tilespmem:$0x1F950] =	vst v63  }
0x61: {  	_ =	swait.ge [sflag:s15], $0x1980  }
0x62: {  	[sflag:s15] =	ssyncset.done $0x0  }
0x63: {  	s25 =	rddreg [dreg:$0x18];
	[sflag:s15] =	ssyncadd.s32 $0xFFFFE680  }
0x64: {  	[spmem:s25] =	stream.linear.scatter [tilespmem:s14], [sflag:$0xC], $0x1980, $0x38;
	[tilespmem:$0x1F950] =	vst v63  }
0x65: {  	_ =	swait.ge [sflag:s15], $0x1980  }
0x66: {  	[sflag:s15] =	ssyncset.done $0x0  }
0x67: {  	s26 =	rddreg [dreg:$0x19];
	[sflag:s15] =	ssyncadd.s32 $0xFFFFE680  }
0x68: {  	[spmem:s26] =	stream.linear.scatter [tilespmem:s14], [sflag:$0xC], $0x1980, $0x38;
	[tilespmem:$0x1F950] =	vst v63  }
0x69: {  	_ =	swait.ge [sflag:s15], $0x1980  }
0x6a: {  	[sflag:s15] =	ssyncset.done $0x0  }
0x6b: {  	[sflag:s15] =	ssyncadd.s32 $0xFFFFE680  }
0x6c: {  	[spmem:s10] =	stream.linear.scatter [tilespmem:s14], [sflag:$0xC], $0x88, $0x38;
	[tilespmem:$0x1F950] =	vst v63  }
0x6d: {  	_ =	swait.ge [sflag:s15], $0x88  }
0x6e: {  	[sflag:s15] =	ssyncset.done $0x0  }
0x6f: {  	[sflag:s15] =	ssyncadd.s32 $0xFFFFFF78  }
0x70: {  	[bflag:$0x0] =	sbarrier.arrive $0xFFFF  }
0x71: {  	s25 =	simm.s32 $0x0;
	s28 =	rddreg [dreg:$0x9]  }
0x72: {  	[tilespmem:s25], [sflag:$0x5] =	stream.linear.gather [hbm4b:s28+s25], $0x30, $0x38;
	[tilespmem:$0x1F950] =	vst v63  }
0x73: {  	s29 =	rddreg [dreg:$0xa]  }
0x74: {  	[tilespmem:s16], [sflag:$0x8] =	stream.linear.gather [hbm4b:s29+s25], $0x30, $0x38;
	[tilespmem:$0x1F950] =	vst v63  }
0x75: {  	s30 =	rddreg [dreg:$0xb]  }
0x76: {  	[tilespmem:s17], [sflag:$0x6] =	stream.linear.gather [hbm4b:s30+s25], $0x30, $0x38;
	[tilespmem:$0x1F950] =	vst v63  }
0x77: {  	s4 =	simm.s32 $0xC0;
	s31 =	rddreg [dreg:$0xc]  }
0x78: {  	[tilespmem:s4], [sflag:$0x9] =	stream.linear.gather [hbm4b:s31+s25], $0x30, $0x38;
	[tilespmem:$0x1F950] =	vst v63  }
0x79: {  	_ =	swait.ge [sflag:s18], $0x30  }
0x7a: {  	[sflag:s18] =	ssyncset.done $0x0  }
0x7b: {  	[sflag:s18] =	ssyncadd.s32 $0xFFFFFFD0  }
0x7c: {  	_ =	swait.ge [sflag:s20], $0x30  }
0x7d: {  	[sflag:s20] =	ssyncset.done $0x0  }
0x7e: {  	[sflag:s20] =	ssyncadd.s32 $0xFFFFFFD0  }
0x7f: {  	[tilespmem:s21], [sflag:$0x1] =	stream.indirect.gather [hbm4b:s5+s17], $0x80, s16, s17, $0xb8;
	[tilespmem:$0x1F950] =	vst v63  }
0x80: {  	_ = 	snop  }
0x81: {  	[tilespmem:s22], [sflag:$0x3] =	stream.indirect.gather [hbm4b:s6+s17], $0x100, s25, s17, $0xb8;
	[tilespmem:$0x1F950] =	vst v63  }
.LBB2_4:
0x82: {  	p0 =	seq.s32 s25, $0x0  }
0x83: {  	p1 =	sgt.u32 @!p0 s25, $0xCF  }
0x84: {  	p1 =	por p0, !p1  }
.Ltmp1:
0x85: {  	_ = 	snop;
	(pc) =	sbr.rel @!p1 .LBB2_6-.Ltmp1, $4  }
0x86: {  	s0 =	simm.s32 @!p0 $0xB  }
0x87: {  	_ =	swait.ge @!p0 [sflag:s0], $0x1980  }
0x88: {  	[sflag:s0] =	ssyncset.done @!p0 $0x0  }
0x89: {  	[sflag:s0] =	ssyncadd.s32 @!p0 $0xFFFFE680  }
0x8a: {  	s0 =	sadd.s32 $0x2, s25  }
0x8b: {  	s4 =	smul.u32 $0xAB, s0;
	_ =	sdelay $0x1  }
0x8c: {  	s4 =	sshrl.u32 s4, $0x9  }
0x8d: {  	s4 =	sand.u32 $0x7F, s4  }
0x8e: {  	s4 =	smul.u32 $0x3, s4  }
0x8f: {  	s26 =	smul.u32 $0x30, s0  }
0x90: {  	s0 =	ssub.s32 s0, s4  }
0x91: {  	s30 =	sadd.s32 s8, s26;
	s0 =	sand.u32 $0xFF, s0  }
0x92: {  	s4 =	sshrl.u32 s30, $0x3;
	s31 =	smul.u32 $0x30, s0  }
.Ltmp2:
0x93: {  	s29 =	sadd.s32 s1, s4;
	s28 =	sadd.s32 $0x5, s0;
	(pc) =	sbr.rel .LBB2_7-.Ltmp2, $4  }
0x94: {  	[tilespmem:s31], [sflag:s28] =	stream.linear.gather [hbm4b:s29+s3], $0x30, $0x38;
	[tilespmem:$0x1F950] =	vst v63  }
0x95: {  	s4 =	sadd.s32 s7, s4;
	s0 =	sor.u32 $0x8, s0;
	s26 =	sadd.s32 $0x90, s31  }
0x96: {  	[tilespmem:s26], [sflag:s0] =	stream.linear.gather [hbm4b:s4+s3], $0x30, $0x38;
	[tilespmem:$0x1F950] =	vst v63  }
0x97: {  	s0 =	sadd.s32 $0x1, s25  }
.LBB2_6:
0x98: {  	p0 =	seq.s32 s25, $0xD1  }
.Ltmp3:
0x99: {  	_ = 	snop;
	(pc) =	sbr.rel @p0 .LBB2_8-.Ltmp3, $2  }
0x9a: {  	_ =	sdelay $0x2  }
0x9b: {  	s0 =	simm.s32 $0xD1;
	s26 =	simm.s32 $0xD2  }
.LBB2_7:
0x9c: {  	s4 =	smul.u32 $0xAB, s0;
	_ =	sdelay $0x1  }
0x9d: {  	s4 =	sshrl.u32 s4, $0x9  }
0x9e: {  	s4 =	sand.u32 $0x7F, s4  }
0x9f: {  	s4 =	smul.u32 $0x3, s4;
	_ =	sdelay $0x1  }
0xa0: {  	s4 =	ssub.s32 s0, s4  }
0xa1: {  	s4 =	sand.u32 $0xFF, s4  }
0xa2: {  	s26 =	sadd.s32 $0x5, s4  }
0xa3: {  	_ =	swait.ge [sflag:s26], $0x30  }
0xa4: {  	s28 =	sand.u32 $0x1, s0;
	s29 =	smul.u32 $0x30, s4;
	[sflag:s26] =	ssyncset.done $0x0  }
0xa5: {  	s31 =	smul.u32 $0x6000, s28;
	s4 =	sor.u32 $0x8, s4;
	[sflag:s26] =	ssyncadd.s32 $0xFFFFFFD0  }
0xa6: {  	s30 =	sadd.s32 $0x90, s29;
	_ =	swait.ge [sflag:s4], $0x30  }
0xa7: {  	s26 =	sshrl.u32 s31, $0x2;
	s31 =	smul.u32 $0xC000, s28;
	[sflag:s4] =	ssyncset.done $0x0  }
0xa8: {  	[sflag:s4] =	ssyncadd.s32 $0xFFFFFFD0;
	s4 =	sor.u32 $0x120, s26;
	s26 =	sadd.s32 $0x1, s28  }
0xa9: {  	[tilespmem:s4], [sflag:s26] =	stream.indirect.gather [hbm4b:s5+s17], $0x80, s30, s17, $0xb8;
	[tilespmem:$0x1F950] =	vst v63  }
0xaa: {  	s30 =	sshrl.u32 s31, $0x2  }
0xab: {  	s31 =	sadd.s32 $0x3, s28;
	s26 =	smov.u32 s0;
	s4 =	sadd.s32 $0x3120, s30  }
0xac: {  	[tilespmem:s4], [sflag:s31] =	stream.indirect.gather [hbm4b:s6+s17], $0x100, s29, s17, $0xb8;
	[tilespmem:$0x1F950] =	vst v63  }
.LBB2_8:
0xad: {  	s0 =	sand.u32 $0x1, s25  }
0xae: {  	s4 =	sadd.s32 $0x1, s0  }
0xaf: {  	_ =	swait.ge [sflag:s4], $0x1800  }
0xb0: {  	[sflag:s4] =	ssyncset.done $0x0  }
0xb1: {  	s31 =	sadd.s32 $0x3, s0;
	[sflag:s4] =	ssyncadd.s32 $0xFFFFE800  }
0xb2: {  	s0 =	smul.u32 $0x30, s0;
	_ =	swait.ge [sflag:s31], $0x3000  }
0xb3: {  	[sflag:s31] =	ssyncset.done $0x0  }
0xb4: {  	s28 =	simm.s32 $0x0;
	s29 =	simm.s32 $0x0;
	v12 =	vmov s0;
	[sflag:s31] =	ssyncadd.s32 $0xFFFFD000  }
.LBB2_9:
0xb5: {  	s0 =	sshll.u32 s29, $0x4  }
0xb6: {  	v13 =	vor.u32 s0, v0  }
0xb7: {  	s4 =	simm.s32 $0x0;
	v15 =	vadd.s32 v12, v13  }
0xb8: {  	v19 =	vor.u32 s4, v2;
	v14 =	vshll.u32 v15, $0x7  }
0xb9: {  	v17 =	vshll.u32 v15, $0x8;
	v15 =	vor.u32 v14, v19  }
0xba: {  	v16 =	vor.u32 v17, v19;
	v18 =	vor.u32 v4, v15  }
0xbb: {  	v20 =	vor.u32 v4, v16  }
0xbc: {  	v21 =	vor.u32 v5, v16  }
0xbd: {  	v22 =	vor.u32 v5, v15  }
0xbe: {  	v23 =	vor.u32 v6, v16  }
0xbf: {  	v24 =	vor.u32 v6, v15;
	v18 =	vld.idx.msk [tilespmem:v18+s21+$0x0], $0xffff  }
0xc0: {  	v25 =	vor.u32 v7, v16;
	v20 =	vld.idx.msk [tilespmem:v20+s22+$0x0], $0xffff  }
0xc1: {  	v26 =	vor.u32 v7, v15;
	v21 =	vld.idx.msk [tilespmem:v21+s22+$0x0], $0xffff  }
0xc2: {  	v27 =	vor.u32 v8, v16;
	v22 =	vld.idx.msk [tilespmem:v22+s21+$0x0], $0xffff  }
0xc3: {  	v28 =	vor.u32 v8, v15;
	v23 =	vld.idx.msk [tilespmem:v23+s22+$0x0], $0xffff  }
0xc4: {  	v29 =	vor.u32 v9, v16;
	v24 =	vld.idx.msk [tilespmem:v24+s21+$0x0], $0xffff  }
0xc5: {  	v30 =	vor.u32 v9, v15;
	v25 =	vld.idx.msk [tilespmem:v25+s22+$0x0], $0xffff;
	v20 =	vmul.f32 v20, v18  }
0xc6: {  	v31 =	vor.u32 v10, v16;
	v26 =	vld.idx.msk [tilespmem:v26+s21+$0x0], $0xffff  }
0xc7: {  	v21 =	vmul.f32 v21, v22;
	v22 =	vld.idx.msk [tilespmem:v27+s22+$0x0], $0xffff;
	v27 =	vor.u32 v10, v15;
	v20 =	vadd.f32 $0.0e+00, v20  }
0xc8: {  	v16 =	vor.u32 v11, v16;
	v28 =	vld.idx.msk [tilespmem:v28+s21+$0x0], $0xffff;
	v18 =	vor.u32 s4, v3;
	v15 =	vor.u32 v11, v15  }
0xc9: {  	v29 =	vld.idx.msk [tilespmem:v29+s22+$0x0], $0xffff;
	v32 =	vor.u32 v17, v18;
	v20 =	vadd.f32 v21, v20;
	v21 =	vmul.f32 v23, v24  }
0xca: {  	v23 =	vor.u32 v14, v18;
	v24 =	vld.idx.msk [tilespmem:v30+s21+$0x0], $0xffff;
	v30 =	vor.u32 v4, v32  }
0xcb: {  	v31 =	vld.idx.msk [tilespmem:v31+s22+$0x0], $0xffff;
	v33 =	vor.u32 v4, v23;
	v20 =	vadd.f32 v21, v20;
	v21 =	vmul.f32 v25, v26  }
0xcc: {  	v25 =	vld.idx.msk [tilespmem:v27+s21+$0x0], $0xffff;
	v26 =	vor.u32 v5, v32  }
0xcd: {  	v16 =	vld.idx.msk [tilespmem:v16+s22+$0x0], $0xffff;
	v27 =	vor.u32 v5, v23;
	v20 =	vadd.f32 v21, v20;
	v21 =	vmul.f32 v22, v28  }
0xce: {  	v15 =	vld.idx.msk [tilespmem:v15+s21+$0x0], $0xffff;
	v22 =	vor.u32 v6, v32  }
0xcf: {  	v28 =	vld.idx.msk [tilespmem:v30+s22+$0x0], $0xffff;
	v30 =	vor.u32 v6, v23;
	v20 =	vadd.f32 v21, v20;
	v21 =	vmul.f32 v29, v24  }
0xd0: {  	v24 =	vld.idx.msk [tilespmem:v33+s21+$0x0], $0xffff;
	v29 =	vor.u32 v7, v32  }
0xd1: {  	v59 =	vor.u32 v7, v23;
	v26 =	vld.idx.msk [tilespmem:v26+s22+$0x0], $0xffff;
	v20 =	vadd.f32 v21, v20;
	v21 =	vmul.f32 v31, v25  }
0xd2: {  	v25 =	vld.idx.msk [tilespmem:v27+s21+$0x0], $0xffff;
	v27 =	vor.u32 v8, v32  }
0xd3: {  	v15 =	vmul.f32 v16, v15;
	v31 =	vor.u32 v8, v23;
	v22 =	vld.idx.msk [tilespmem:v22+s22+$0x0], $0xffff;
	v20 =	vadd.f32 v21, v20  }
0xd4: {  	v16 =	vld.idx.msk [tilespmem:v30+s21+$0x0], $0xffff;
	v21 =	vor.u32 v9, v32  }
0xd5: {  	v30 =	vor.u32 v9, v23;
	v29 =	vld.idx.msk [tilespmem:v29+s22+$0x0], $0xffff;
	v15 =	vadd.f32 v15, v20;
	v20 =	vmul.f32 v28, v24  }
0xd6: {  	v24 =	vld.idx.msk [tilespmem:v59+s21+$0x0], $0xffff;
	v28 =	vor.u32 v10, v32  }
0xd7: {  	v60 =	vor.u32 v10, v23;
	v27 =	vld.idx.msk [tilespmem:v27+s22+$0x0], $0xffff;
	v15 =	vadd.f32 v20, v15;
	v20 =	vmul.f32 v26, v25  }
0xd8: {  	v23 =	vor.u32 v11, v23;
	v25 =	vld.idx.msk [tilespmem:v31+s21+$0x0], $0xffff  }
0xd9: {  	v26 =	vor.u32 v11, v32;
	v21 =	vld.idx.msk [tilespmem:v21+s22+$0x0], $0xffff;
	v16 =	vmul.f32 v22, v16;
	v15 =	vadd.f32 v20, v15  }
0xda: {  	v20 =	vld.idx.msk [tilespmem:v30+s21+$0x0], $0xffff  }
0xdb: {  	v22 =	vld.idx.msk [tilespmem:v28+s22+$0x0], $0xffff;
	v15 =	vadd.f32 v16, v15;
	v16 =	vmul.f32 v29, v24  }
0xdc: {  	v24 =	vld.idx.msk [tilespmem:v60+s21+$0x0], $0xffff  }
0xdd: {  	v23 =	vld.idx.msk [tilespmem:v23+s21+$0x0], $0xffff;
	v15 =	vadd.f32 v16, v15;
	v16 =	vmul.f32 v27, v25  }
0xde: {  	v26 =	vld.idx.msk [tilespmem:v26+s22+$0x0], $0xffff  }
0xdf: {  	v15 =	vadd.f32 v16, v15;
	v16 =	vmul.f32 v21, v20;
	_ =	sdelay $0x1  }
0xe0: {  	v15 =	vadd.f32 v16, v15;
	v16 =	vmul.f32 v22, v24;
	_ =	sdelay $0x1  }
0xe1: {  	v15 =	vadd.f32 v16, v15;
	v16 =	vmul.f32 v26, v23;
	_ =	sdelay $0x1  }
0xe2: {  	v15 =	vadd.f32 v16, v15;
	_ =	sdelay $0x1  }
0xe3: {  	v15 =	vmul.f32 $1.442695020e+00, v15;
	_ =	sdelay $0x1  }
0xe4: {  	v16 =	vmov s28;
	(erf) = vpow2.f32 v15  }
0xe5: {  	v15 =	vand.u32 $0x7, v16  }
0xe6: {  	v15 =	vor.u32 $0x80, v15  }
0xe7: {  	v13 =	vmul.u32 $0x88, v13;
	v15 =	vbroadcast v15, $0x0  }
0xe8: {  	s4 =	simm.s32 $0x80;
	v16 =	vor.u32 v2, v17  }
0xe9: {  	v20 =	vor.u32 s4, v16;
	v15 =	vadd.s32 v13, v15  }
0xea: {  	v21 =	vor.u32 v4, v20  }
0xeb: {  	v22 =	vor.u32 v5, v20  }
0xec: {  	v24 =	vor.u32 v6, v20  }
0xed: {  	v25 =	vor.u32 v7, v20;
	v23 =	vpop (erf)  }
0xee: {  	[tilespmem:v15+s14+$0x0] =	vst.idx.msk $0xffff, v23;
	v15 =	vor.u32 v8, v20  }
0xef: {  	v26 =	vor.u32 v9, v20;
	v21 =	vld.idx.msk [tilespmem:v21+s22+$0x0], $0xffff  }
0xf0: {  	v19 =	vadd.s32 v13, v19;
	v27 =	vor.u32 v10, v20;
	v22 =	vld.idx.msk [tilespmem:v22+s22+$0x0], $0xffff  }
0xf1: {  	v28 =	vor.u32 v4, v19;
	v20 =	vor.u32 v11, v20;
	v24 =	vld.idx.msk [tilespmem:v24+s22+$0x0], $0xffff  }
0xf2: {  	v30 =	vor.u32 v5, v19;
	v25 =	vld.idx.msk [tilespmem:v25+s22+$0x0], $0xffff  }
0xf3: {  	v31 =	vor.u32 v6, v19;
	v29 =	vld.idx.msk [tilespmem:v15+s22+$0x0], $0xffff  }
0xf4: {  	v61 =	vor.u32 v7, v19;
	v26 =	vld.idx.msk [tilespmem:v26+s22+$0x0], $0xffff;
	v21 =	vmul.f32 v23, v21  }
0xf5: {  	v62 =	vor.u32 v8, v19;
	v27 =	vld.idx.msk [tilespmem:v27+s22+$0x0], $0xffff;
	v15 =	vor.u32 v3, v17;
	v22 =	vmul.f32 v23, v22  }
0xf6: {  	v20 =	vld.idx.msk [tilespmem:v20+s22+$0x0], $0xffff;
	v24 =	vmul.f32 v23, v24;
	[tilespmem:v28+s14+$0x0] =	vst.idx.msk $0xffff, v21;
	v21 =	vor.u32 v9, v19  }
0xf7: {  	v25 =	vmul.f32 v25, v23;
	[tilespmem:v30+s14+$0x0] =	vst.idx.msk $0xffff, v22;
	v22 =	vor.u32 v10, v19  }
0xf8: {  	v19 =	vor.u32 v11, v19;
	v28 =	vmul.f32 v29, v23;
	[tilespmem:v31+s14+$0x0] =	vst.idx.msk $0xffff, v24;
	v24 =	vor.u32 s4, v15  }
0xf9: {  	v26 =	vmul.f32 v26, v23;
	[tilespmem:v61+s14+$0x0] =	vst.idx.msk $0xffff, v25;
	v25 =	vor.u32 v4, v24  }
0xfa: {  	v27 =	vmul.f32 v27, v23;
	[tilespmem:v62+s14+$0x0] =	vst.idx.msk $0xffff, v28;
	v28 =	vor.u32 v5, v24  }
0xfb: {  	v20 =	vmul.f32 v20, v23;
	[tilespmem:v21+s14+$0x0] =	vst.idx.msk $0xffff, v26;
	v21 =	vor.u32 v6, v24  }
0xfc: {  	[tilespmem:v22+s14+$0x0] =	vst.idx.msk $0xffff, v27;
	v22 =	vor.u32 v7, v24  }
0xfd: {  	[tilespmem:v19+s14+$0x0] =	vst.idx.msk $0xffff, v20;
	v19 =	vor.u32 v8, v24  }
0xfe: {  	v30 =	vor.u32 v9, v24;
	v20 =	vadd.s32 v13, v18;
	v26 =	vld.idx.msk [tilespmem:v25+s22+$0x0], $0xffff  }
0xff: {  	v63 =	vor.u32 v10, v24;
	v45 =	vor.u32 v11, v24;
	v18 =	vor.u32 v9, v20;
	v42 =	vld.idx.msk [tilespmem:v28+s22+$0x0], $0xffff  }
0x100: {  	v29 =	vor.u32 v8, v20;
	v27 =	vor.u32 v11, v20;
	v39 =	vor.u32 v4, v20;
	v34 =	vld.idx.msk [tilespmem:v21+s22+$0x0], $0xffff  }
0x101: {  	s4 =	simm.s32 $0x10;
	v35 =	vor.u32 v6, v20;
	v33 =	vor.u32 v7, v20;
	v28 =	vor.u32 v10, v20;
	v36 =	vld.idx.msk [tilespmem:v22+s22+$0x0], $0xffff  }
0x102: {  	v21 =	vor.u32 s4, v2;
	v22 =	vor.u32 s4, v3;
	v38 =	vld.idx.msk [tilespmem:v19+s22+$0x0], $0xffff;
	v19 =	vor.u32 v5, v20  }
0x103: {  	v40 =	vld.idx.msk [tilespmem:v30+s22+$0x0], $0xffff;
	v24 =	vor.u32 v14, v21;
	v25 =	vor.u32 v17, v21;
	v20 =	vor.u32 v17, v22  }
0x104: {  	v41 =	vld.idx.msk [tilespmem:v63+s22+$0x0], $0xffff;
	v31 =	vor.u32 v4, v24;
	v30 =	vor.u32 v4, v25;
	v43 =	vmul.f32 v26, v23  }
0x105: {  	s31 =	simm.s32 $0x1;
	s30 =	simm.s32 $0x90;
	s0 =	simm.s32 $0x2;
	v32 =	vor.u32 v5, v24;
	v37 =	vor.u32 v5, v25;
	v44 =	vmul.f32 v42, v23;
	v42 =	vld.idx.msk [tilespmem:v45+s22+$0x0], $0xffff  }
.LBB2_10:
0x106: {  	p0 =	sne.s32 s0, $0x7;
	v26 =	vor.u32 v14, v22;
	v34 =	vmul.f32 v34, v23;
	[tilespmem:v39+s14+$0x0] =	vst.idx.msk $0xffff, v43;
	s4 =	smov.u32 s0;
	s0 =	sadd.s32 $0x1, s0  }
0x107: {  	v21 =	vadd.s32 v13, v21;
	v36 =	vmul.f32 v36, v23;
	[tilespmem:v19+s14+$0x0] =	vst.idx.msk $0xffff, v44  }
0x108: {  	v19 =	vadd.s32 v13, v22;
	v22 =	vmul.f32 v38, v23;
	[tilespmem:v35+s14+$0x0] =	vst.idx.msk $0xffff, v34  }
0x109: {  	v34 =	vor.u32 v9, v19;
	v35 =	vmul.f32 v40, v23;
	[tilespmem:v33+s14+$0x0] =	vst.idx.msk $0xffff, v36  }
0x10a: {  	v33 =	vmul.f32 v41, v23;
	[tilespmem:v29+s14+$0x0] =	vst.idx.msk $0xffff, v22  }
0x10b: {  	v22 =	vmul.f32 v42, v23;
	[tilespmem:v18+s14+$0x0] =	vst.idx.msk $0xffff, v35;
	v18 =	vmov v34  }
0x10c: {  	[tilespmem:v28+s14+$0x0] =	vst.idx.msk $0xffff, v33  }
0x10d: {  	[tilespmem:v27+s14+$0x0] =	vst.idx.msk $0xffff, v22  }
0x10e: {  	v23 =	vor.u32 v6, v25;
	v22 =	vld.idx.msk [tilespmem:v37+s22+$0x0], $0xffff  }
0x10f: {  	v28 =	vor.u32 v6, v24;
	v27 =	vld.idx.msk [tilespmem:v31+s21+$0x0], $0xffff  }
0x110: {  	v29 =	vld.idx.msk [tilespmem:v30+s22+$0x0], $0xffff;
	v30 =	vor.u32 v7, v25  }
0x111: {  	v31 =	vld.idx.msk [tilespmem:v32+s21+$0x0], $0xffff;
	v32 =	vor.u32 v7, v24  }
0x112: {  	v33 =	vor.u32 v8, v25  }
0x113: {  	v34 =	vor.u32 v8, v24;
	v23 =	vld.idx.msk [tilespmem:v23+s22+$0x0], $0xffff  }
0x114: {  	v35 =	vor.u32 v9, v25;
	v28 =	vld.idx.msk [tilespmem:v28+s21+$0x0], $0xffff  }
0x115: {  	v36 =	vor.u32 v9, v24;
	v30 =	vld.idx.msk [tilespmem:v30+s22+$0x0], $0xffff  }
0x116: {  	v27 =	vmul.f32 v29, v27;
	v29 =	vld.idx.msk [tilespmem:v32+s21+$0x0], $0xffff;
	v32 =	vor.u32 v10, v25  }
0x117: {  	v22 =	vmul.f32 v22, v31;
	v31 =	vld.idx.msk [tilespmem:v33+s22+$0x0], $0xffff;
	v33 =	vor.u32 v10, v24  }
0x118: {  	v25 =	vor.u32 v11, v25;
	v27 =	vadd.f32 $0.0e+00, v27;
	v34 =	vld.idx.msk [tilespmem:v34+s21+$0x0], $0xffff  }
0x119: {  	v24 =	vor.u32 v11, v24;
	v35 =	vld.idx.msk [tilespmem:v35+s22+$0x0], $0xffff  }
0x11a: {  	v22 =	vadd.f32 v22, v27;
	v23 =	vmul.f32 v23, v28;
	v28 =	vor.u32 v4, v20;
	v27 =	vld.idx.msk [tilespmem:v36+s21+$0x0], $0xffff  }
0x11b: {  	v36 =	vor.u32 v4, v26;
	v32 =	vld.idx.msk [tilespmem:v32+s22+$0x0], $0xffff  }
0x11c: {  	v22 =	vadd.f32 v23, v22;
	v23 =	vmul.f32 v30, v29;
	v30 =	vor.u32 v5, v20;
	v29 =	vld.idx.msk [tilespmem:v33+s21+$0x0], $0xffff  }
0x11d: {  	v33 =	vor.u32 v5, v26;
	v25 =	vld.idx.msk [tilespmem:v25+s22+$0x0], $0xffff  }
0x11e: {  	v22 =	vadd.f32 v23, v22;
	v23 =	vmul.f32 v31, v34;
	v31 =	vor.u32 v6, v20;
	v24 =	vld.idx.msk [tilespmem:v24+s21+$0x0], $0xffff  }
0x11f: {  	v34 =	vor.u32 v6, v26;
	v28 =	vld.idx.msk [tilespmem:v28+s22+$0x0], $0xffff  }
0x120: {  	v22 =	vadd.f32 v23, v22;
	v23 =	vmul.f32 v35, v27;
	v35 =	vor.u32 v7, v20;
	v27 =	vld.idx.msk [tilespmem:v36+s21+$0x0], $0xffff  }
0x121: {  	v36 =	vor.u32 v7, v26;
	v30 =	vld.idx.msk [tilespmem:v30+s22+$0x0], $0xffff  }
0x122: {  	v22 =	vadd.f32 v23, v22;
	v23 =	vmul.f32 v32, v29;
	v32 =	vor.u32 v8, v20;
	v29 =	vld.idx.msk [tilespmem:v33+s21+$0x0], $0xffff  }
0x123: {  	v33 =	vor.u32 v8, v26;
	v31 =	vld.idx.msk [tilespmem:v31+s22+$0x0], $0xffff  }
0x124: {  	v22 =	vadd.f32 v23, v22;
	v23 =	vmul.f32 v25, v24;
	v25 =	vor.u32 v9, v20;
	v24 =	vld.idx.msk [tilespmem:v34+s21+$0x0], $0xffff  }
0x125: {  	v34 =	vld.idx.msk [tilespmem:v35+s22+$0x0], $0xffff;
	v35 =	vor.u32 v9, v26  }
0x126: {  	v22 =	vadd.f32 v23, v22;
	v23 =	vmul.f32 v28, v27;
	v28 =	vor.u32 v10, v20;
	v27 =	vld.idx.msk [tilespmem:v36+s21+$0x0], $0xffff  }
0x127: {  	v36 =	vor.u32 v10, v26;
	v32 =	vld.idx.msk [tilespmem:v32+s22+$0x0], $0xffff  }
0x128: {  	v20 =	vor.u32 v11, v20;
	v22 =	vadd.f32 v23, v22;
	v23 =	vmul.f32 v30, v29;
	v29 =	vld.idx.msk [tilespmem:v33+s21+$0x0], $0xffff  }
0x129: {  	v26 =	vor.u32 v11, v26;
	v25 =	vld.idx.msk [tilespmem:v25+s22+$0x0], $0xffff  }
0x12a: {  	v22 =	vadd.f32 v23, v22;
	v23 =	vmul.f32 v31, v24;
	v24 =	vld.idx.msk [tilespmem:v35+s21+$0x0], $0xffff  }
0x12b: {  	v28 =	vld.idx.msk [tilespmem:v28+s22+$0x0], $0xffff  }
0x12c: {  	v22 =	vadd.f32 v23, v22;
	v23 =	vmul.f32 v34, v27;
	v27 =	vld.idx.msk [tilespmem:v36+s21+$0x0], $0xffff  }
0x12d: {  	v20 =	vld.idx.msk [tilespmem:v20+s22+$0x0], $0xffff  }
0x12e: {  	v22 =	vadd.f32 v23, v22;
	v23 =	vmul.f32 v32, v29;
	v26 =	vld.idx.msk [tilespmem:v26+s21+$0x0], $0xffff;
	_ =	sdelay $0x1  }
0x12f: {  	v22 =	vadd.f32 v23, v22;
	v23 =	vmul.f32 v25, v24;
	_ =	sdelay $0x1  }
0x130: {  	v22 =	vadd.f32 v23, v22;
	v23 =	vmul.f32 v28, v27;
	_ =	sdelay $0x1  }
0x131: {  	v22 =	vadd.f32 v23, v22;
	v20 =	vmul.f32 v20, v26;
	_ =	sdelay $0x1  }
0x132: {  	v20 =	vadd.f32 v20, v22;
	_ =	sdelay $0x1  }
0x133: {  	v20 =	vmul.f32 $1.442695020e+00, v20;
	_ =	sdelay $0x1  }
0x134: {  	v22 =	vmov s31;
	s31 =	smov.u32 s4;
	(erf) = vpow2.f32 v20  }
0x135: {  	v20 =	vand.u32 $0x7, v22  }
0x136: {  	v20 =	vor.u32 $0x80, v20  }
0x137: {  	v20 =	vbroadcast v20, $0x0;
	_ =	sdelay $0x1  }
0x138: {  	v22 =	vor.u32 s30, v16;
	v20 =	vadd.s32 v13, v20  }
0x139: {  	v24 =	vor.u32 v4, v22  }
0x13a: {  	v25 =	vor.u32 v5, v22  }
0x13b: {  	v26 =	vor.u32 v6, v22  }
0x13c: {  	v27 =	vor.u32 v7, v22;
	v23 =	vpop (erf)  }
0x13d: {  	[tilespmem:v20+s14+$0x0] =	vst.idx.msk $0xffff, v23;
	v20 =	vor.u32 v8, v22  }
0x13e: {  	v28 =	vor.u32 v9, v22;
	v24 =	vld.idx.msk [tilespmem:v24+s22+$0x0], $0xffff  }
0x13f: {  	v29 =	vor.u32 v10, v22;
	v25 =	vld.idx.msk [tilespmem:v25+s22+$0x0], $0xffff  }
0x140: {  	v22 =	vor.u32 v11, v22;
	v26 =	vld.idx.msk [tilespmem:v26+s22+$0x0], $0xffff  }
0x141: {  	v30 =	vor.u32 v4, v21;
	v27 =	vld.idx.msk [tilespmem:v27+s22+$0x0], $0xffff  }
0x142: {  	v31 =	vor.u32 v5, v21;
	v20 =	vld.idx.msk [tilespmem:v20+s22+$0x0], $0xffff  }
0x143: {  	v32 =	vor.u32 v6, v21;
	v28 =	vld.idx.msk [tilespmem:v28+s22+$0x0], $0xffff  }
0x144: {  	v33 =	vor.u32 v7, v21;
	v24 =	vmul.f32 v23, v24;
	v29 =	vld.idx.msk [tilespmem:v29+s22+$0x0], $0xffff  }
0x145: {  	v34 =	vor.u32 v8, v21;
	v25 =	vmul.f32 v23, v25;
	v22 =	vld.idx.msk [tilespmem:v22+s22+$0x0], $0xffff  }
0x146: {  	v26 =	vmul.f32 v23, v26;
	[tilespmem:v30+s14+$0x0] =	vst.idx.msk $0xffff, v24;
	v24 =	vor.u32 v9, v21  }
0x147: {  	v27 =	vmul.f32 v27, v23;
	[tilespmem:v31+s14+$0x0] =	vst.idx.msk $0xffff, v25;
	v25 =	vor.u32 v10, v21  }
0x148: {  	v20 =	vmul.f32 v20, v23;
	v21 =	vor.u32 v11, v21;
	[tilespmem:v32+s14+$0x0] =	vst.idx.msk $0xffff, v26;
	v26 =	vor.u32 s30, v15  }
0x149: {  	v28 =	vmul.f32 v28, v23;
	[tilespmem:v33+s14+$0x0] =	vst.idx.msk $0xffff, v27;
	v27 =	vor.u32 v4, v26  }
0x14a: {  	v29 =	vmul.f32 v29, v23;
	[tilespmem:v34+s14+$0x0] =	vst.idx.msk $0xffff, v20;
	v20 =	vor.u32 v5, v26  }
0x14b: {  	v22 =	vmul.f32 v22, v23;
	[tilespmem:v24+s14+$0x0] =	vst.idx.msk $0xffff, v28;
	v24 =	vor.u32 v6, v26  }
0x14c: {  	[tilespmem:v25+s14+$0x0] =	vst.idx.msk $0xffff, v29;
	v25 =	vor.u32 v7, v26  }
0x14d: {  	v30 =	vor.u32 v8, v26;
	[tilespmem:v21+s14+$0x0] =	vst.idx.msk $0xffff, v22  }
0x14e: {  	v31 =	vor.u32 v9, v26;
	v32 =	vld.idx.msk [tilespmem:v27+s22+$0x0], $0xffff  }
0x14f: {  	v37 =	vor.u32 v10, v26;
	v26 =	vor.u32 v11, v26;
	v42 =	vld.idx.msk [tilespmem:v20+s22+$0x0], $0xffff  }
0x150: {  	s30 =	sadd.s32 $0x10, s30;
	v28 =	vor.u32 v10, v19;
	v29 =	vor.u32 v8, v19;
	v27 =	vor.u32 v11, v19;
	v34 =	vld.idx.msk [tilespmem:v24+s22+$0x0], $0xffff  }
.Ltmp4:
0x151: {  	v39 =	vor.u32 v4, v19;
	v35 =	vor.u32 v6, v19;
	s4 =	sadd.s32 $0xFFFFFF80, s30;
	v33 =	vor.u32 v7, v19;
	v36 =	vld.idx.msk [tilespmem:v25+s22+$0x0], $0xffff;
	(pc) =	sbr.rel @p0 .LBB2_10-.Ltmp4, $4  }
0x152: {  	v21 =	vor.u32 s4, v2;
	v22 =	vor.u32 s4, v3;
	v19 =	vor.u32 v5, v19;
	v38 =	vld.idx.msk [tilespmem:v30+s22+$0x0], $0xffff  }
0x153: {  	v20 =	vor.u32 v17, v22;
	v24 =	vor.u32 v14, v21;
	v25 =	vor.u32 v17, v21;
	v40 =	vld.idx.msk [tilespmem:v31+s22+$0x0], $0xffff  }
0x154: {  	v30 =	vor.u32 v4, v25;
	v31 =	vor.u32 v4, v24;
	v43 =	vmul.f32 v32, v23;
	v41 =	vld.idx.msk [tilespmem:v37+s22+$0x0], $0xffff  }
0x155: {  	v32 =	vor.u32 v5, v24;
	v37 =	vor.u32 v5, v25;
	v44 =	vmul.f32 v42, v23;
	v42 =	vld.idx.msk [tilespmem:v26+s22+$0x0], $0xffff  }
0x156: {  	_ =	sdelay $0x3  }
0x157: {  	v17 =	vmul.f32 v34, v23;
	[tilespmem:v39+s14+$0x0] =	vst.idx.msk $0xffff, v43  }
0x158: {  	v26 =	vmul.f32 v36, v23;
	[tilespmem:v19+s14+$0x0] =	vst.idx.msk $0xffff, v44  }
0x159: {  	v39 =	vmul.f32 v38, v23;
	[tilespmem:v35+s14+$0x0] =	vst.idx.msk $0xffff, v17  }
0x15a: {  	v40 =	vmul.f32 v40, v23;
	[tilespmem:v33+s14+$0x0] =	vst.idx.msk $0xffff, v26  }
0x15b: {  	v41 =	vmul.f32 v41, v23;
	[tilespmem:v29+s14+$0x0] =	vst.idx.msk $0xffff, v39  }
0x15c: {  	v42 =	vmul.f32 v42, v23;
	[tilespmem:v18+s14+$0x0] =	vst.idx.msk $0xffff, v40  }
0x15d: {  	[tilespmem:v28+s14+$0x0] =	vst.idx.msk $0xffff, v41  }
0x15e: {  	v43 =	vor.u32 v6, v25;
	[tilespmem:v27+s14+$0x0] =	vst.idx.msk $0xffff, v42  }
0x15f: {  	v44 =	vor.u32 v6, v24;
	v18 =	vld.idx.msk [tilespmem:v31+s21+$0x0], $0xffff  }
0x160: {  	v46 =	vor.u32 v7, v25;
	v45 =	vld.idx.msk [tilespmem:v30+s22+$0x0], $0xffff  }
0x161: {  	v47 =	vor.u32 v7, v24;
	v27 =	vld.idx.msk [tilespmem:v37+s22+$0x0], $0xffff  }
0x162: {  	v48 =	vor.u32 v8, v25;
	v29 =	vld.idx.msk [tilespmem:v32+s21+$0x0], $0xffff  }
0x163: {  	v49 =	vor.u32 v8, v24;
	v17 =	vld.idx.msk [tilespmem:v43+s22+$0x0], $0xffff  }
0x164: {  	v50 =	vor.u32 v9, v25;
	v19 =	vld.idx.msk [tilespmem:v44+s21+$0x0], $0xffff  }
0x165: {  	v51 =	vor.u32 v9, v24;
	v26 =	vld.idx.msk [tilespmem:v46+s22+$0x0], $0xffff;
	v18 =	vmul.f32 v45, v18  }
0x166: {  	v53 =	vor.u32 v10, v25;
	v52 =	vld.idx.msk [tilespmem:v47+s21+$0x0], $0xffff  }
0x167: {  	v55 =	vor.u32 v10, v24;
	v54 =	vld.idx.msk [tilespmem:v48+s22+$0x0], $0xffff;
	v27 =	vmul.f32 v27, v29;
	v18 =	vadd.f32 $0.0e+00, v18  }
0x168: {  	v56 =	vor.u32 v11, v25;
	v57 =	vor.u32 v11, v24;
	v31 =	vld.idx.msk [tilespmem:v49+s21+$0x0], $0xffff  }
0x169: {  	v14 =	vor.u32 v14, v22;
	v32 =	vld.idx.msk [tilespmem:v50+s22+$0x0], $0xffff;
	v17 =	vmul.f32 v17, v19;
	v18 =	vadd.f32 v27, v18  }
0x16a: {  	v60 =	vor.u32 v4, v14;
	v58 =	vld.idx.msk [tilespmem:v51+s21+$0x0], $0xffff  }
0x16b: {  	v59 =	vor.u32 v4, v20;
	v28 =	vld.idx.msk [tilespmem:v53+s22+$0x0], $0xffff;
	v61 =	vmul.f32 v26, v52;
	v17 =	vadd.f32 v17, v18  }
0x16c: {  	v63 =	vor.u32 v5, v20;
	v62 =	vld.idx.msk [tilespmem:v55+s21+$0x0], $0xffff  }
0x16d: {  	v36 =	vor.u32 v5, v14;
	v25 =	vld.idx.msk [tilespmem:v56+s22+$0x0], $0xffff;
	v37 =	vmul.f32 v54, v31;
	v17 =	vadd.f32 v61, v17  }
0x16e: {  	v39 =	vor.u32 v6, v14;
	v24 =	vld.idx.msk [tilespmem:v57+s21+$0x0], $0xffff  }
0x16f: {  	v38 =	vor.u32 v6, v20;
	v41 =	vld.idx.msk [tilespmem:v60+s21+$0x0], $0xffff;
	v40 =	vmul.f32 v32, v58;
	v17 =	vadd.f32 v37, v17  }
0x170: {  	v42 =	vor.u32 v7, v20;
	v27 =	vld.idx.msk [tilespmem:v59+s22+$0x0], $0xffff  }
0x171: {  	v43 =	vor.u32 v7, v14;
	v26 =	vld.idx.msk [tilespmem:v63+s22+$0x0], $0xffff;
	v44 =	vmul.f32 v28, v62;
	v17 =	vadd.f32 v40, v17  }
0x172: {  	v46 =	vor.u32 v8, v20;
	v45 =	vld.idx.msk [tilespmem:v36+s21+$0x0], $0xffff  }
0x173: {  	v47 =	vor.u32 v8, v14;
	v49 =	vld.idx.msk [tilespmem:v39+s21+$0x0], $0xffff;
	v48 =	vmul.f32 v25, v24;
	v17 =	vadd.f32 v44, v17  }
0x174: {  	v50 =	vor.u32 v9, v20;
	v29 =	vld.idx.msk [tilespmem:v38+s22+$0x0], $0xffff  }
0x175: {  	v51 =	vld.idx.msk [tilespmem:v42+s22+$0x0], $0xffff;
	v52 =	vor.u32 v9, v14;
	v53 =	vmul.f32 v27, v41;
	v17 =	vadd.f32 v48, v17  }
0x176: {  	v55 =	vor.u32 v10, v20;
	v54 =	vld.idx.msk [tilespmem:v43+s21+$0x0], $0xffff  }
0x177: {  	v56 =	vor.u32 v10, v14;
	v28 =	vld.idx.msk [tilespmem:v46+s22+$0x0], $0xffff;
	v57 =	vmul.f32 v26, v45;
	v17 =	vadd.f32 v53, v17  }
0x178: {  	v58 =	vld.idx.msk [tilespmem:v47+s21+$0x0], $0xffff;
	v14 =	vor.u32 v11, v14  }
0x179: {  	v25 =	vld.idx.msk [tilespmem:v50+s22+$0x0], $0xffff;
	v59 =	vor.u32 v11, v20;
	v60 =	vmul.f32 v29, v49;
	v17 =	vadd.f32 v57, v17  }
0x17a: {  	v61 =	vld.idx.msk [tilespmem:v52+s21+$0x0], $0xffff  }
0x17b: {  	v62 =	vld.idx.msk [tilespmem:v55+s22+$0x0], $0xffff;
	v63 =	vmul.f32 v51, v54;
	v17 =	vadd.f32 v60, v17  }
0x17c: {  	v27 =	vld.idx.msk [tilespmem:v56+s21+$0x0], $0xffff  }
0x17d: {  	v29 =	vmul.f32 v28, v58;
	v14 =	vld.idx.msk [tilespmem:v14+s21+$0x0], $0xffff;
	v17 =	vadd.f32 v63, v17  }
0x17e: {  	v20 =	vld.idx.msk [tilespmem:v59+s22+$0x0], $0xffff  }
0x17f: {  	v30 =	vmul.f32 v25, v61;
	v17 =	vadd.f32 v29, v17;
	_ =	sdelay $0x1  }
0x180: {  	v31 =	vmul.f32 v62, v27;
	v17 =	vadd.f32 v30, v17;
	_ =	sdelay $0x1  }
0x181: {  	v14 =	vmul.f32 v20, v14;
	v17 =	vadd.f32 v31, v17;
	_ =	sdelay $0x1  }
0x182: {  	v14 =	vadd.f32 v14, v17;
	_ =	sdelay $0x1  }
0x183: {  	v14 =	vmul.f32 $1.442695020e+00, v14;
	_ =	sdelay $0x1  }
0x184: {  	v32 =	vmov s31;
	(erf) = vpow2.f32 v14  }
0x185: {  	v14 =	vand.u32 $0x7, v32  }
0x186: {  	v14 =	vor.u32 $0x80, v14  }
0x187: {  	v14 =	vbroadcast v14, $0x0;
	_ =	sdelay $0x1  }
0x188: {  	v16 =	vor.u32 s30, v16;
	v14 =	vadd.s32 v13, v14  }
0x189: {  	v33 =	vor.u32 v4, v16  }
0x18a: {  	v34 =	vor.u32 v5, v16  }
0x18b: {  	v35 =	vor.u32 v6, v16  }
0x18c: {  	v36 =	vor.u32 v7, v16;
	v37 =	vpop (erf)  }
0x18d: {  	[tilespmem:v14+s14+$0x0] =	vst.idx.msk $0xffff, v37;
	v14 =	vor.u32 v8, v16  }
0x18e: {  	v38 =	vor.u32 v9, v16;
	v17 =	vld.idx.msk [tilespmem:v33+s22+$0x0], $0xffff  }
0x18f: {  	v21 =	vadd.s32 v13, v21;
	v39 =	vor.u32 v10, v16;
	v18 =	vld.idx.msk [tilespmem:v34+s22+$0x0], $0xffff  }
0x190: {  	v40 =	vor.u32 v4, v21;
	v16 =	vor.u32 v11, v16;
	v19 =	vld.idx.msk [tilespmem:v35+s22+$0x0], $0xffff  }
0x191: {  	v41 =	vor.u32 v5, v21;
	v20 =	vld.idx.msk [tilespmem:v36+s22+$0x0], $0xffff  }
0x192: {  	v42 =	vor.u32 v6, v21;
	v14 =	vld.idx.msk [tilespmem:v14+s22+$0x0], $0xffff  }
0x193: {  	v43 =	vor.u32 v7, v21;
	v24 =	vld.idx.msk [tilespmem:v38+s22+$0x0], $0xffff;
	v17 =	vmul.f32 v37, v17  }
0x194: {  	v44 =	vor.u32 v8, v21;
	v25 =	vld.idx.msk [tilespmem:v39+s22+$0x0], $0xffff;
	v18 =	vmul.f32 v37, v18  }
0x195: {  	v45 =	vor.u32 v9, v21;
	v16 =	vld.idx.msk [tilespmem:v16+s22+$0x0], $0xffff;
	v19 =	vmul.f32 v37, v19;
	[tilespmem:v40+s14+$0x0] =	vst.idx.msk $0xffff, v17  }
0x196: {  	v46 =	vor.u32 v10, v21;
	v20 =	vmul.f32 v20, v37;
	[tilespmem:v41+s14+$0x0] =	vst.idx.msk $0xffff, v18  }
0x197: {  	v15 =	vor.u32 s30, v15;
	v47 =	vor.u32 v11, v21;
	v14 =	vmul.f32 v14, v37;
	[tilespmem:v42+s14+$0x0] =	vst.idx.msk $0xffff, v19  }
0x198: {  	v49 =	vor.u32 v4, v15;
	v48 =	vmul.f32 v24, v37;
	[tilespmem:v43+s14+$0x0] =	vst.idx.msk $0xffff, v20  }
0x199: {  	v50 =	vmul.f32 v25, v37;
	[tilespmem:v44+s14+$0x0] =	vst.idx.msk $0xffff, v14;
	v14 =	vor.u32 v5, v15  }
0x19a: {  	v51 =	vor.u32 v6, v15;
	v16 =	vmul.f32 v16, v37;
	[tilespmem:v45+s14+$0x0] =	vst.idx.msk $0xffff, v48  }
0x19b: {  	v52 =	vor.u32 v7, v15;
	[tilespmem:v46+s14+$0x0] =	vst.idx.msk $0xffff, v50  }
0x19c: {  	v53 =	vor.u32 v8, v15;
	[tilespmem:v47+s14+$0x0] =	vst.idx.msk $0xffff, v16  }
0x19d: {  	v54 =	vor.u32 v9, v15;
	v19 =	vld.idx.msk [tilespmem:v49+s22+$0x0], $0xffff  }
0x19e: {  	v55 =	vor.u32 v10, v15;
	v13 =	vadd.s32 v13, v22;
	v14 =	vld.idx.msk [tilespmem:v14+s22+$0x0], $0xffff  }
0x19f: {  	v22 =	vor.u32 v4, v13;
	v15 =	vor.u32 v11, v15;
	v17 =	vld.idx.msk [tilespmem:v51+s22+$0x0], $0xffff  }
0x1a0: {  	v56 =	vor.u32 v5, v13;
	v18 =	vld.idx.msk [tilespmem:v52+s22+$0x0], $0xffff  }
0x1a1: {  	v57 =	vor.u32 v6, v13;
	v16 =	vld.idx.msk [tilespmem:v53+s22+$0x0], $0xffff  }
0x1a2: {  	v58 =	vor.u32 v7, v13;
	v20 =	vld.idx.msk [tilespmem:v54+s22+$0x0], $0xffff;
	v19 =	vmul.f32 v19, v37  }
0x1a3: {  	v59 =	vor.u32 v8, v13;
	v21 =	vld.idx.msk [tilespmem:v55+s22+$0x0], $0xffff;
	v14 =	vmul.f32 v14, v37  }
0x1a4: {  	v60 =	vor.u32 v9, v13;
	v15 =	vld.idx.msk [tilespmem:v15+s22+$0x0], $0xffff;
	v17 =	vmul.f32 v17, v37;
	[tilespmem:v22+s14+$0x0] =	vst.idx.msk $0xffff, v19  }
0x1a5: {  	s29 =	sadd.s32 $0x1, s29;
	v61 =	vor.u32 v10, v13;
	v18 =	vmul.f32 v18, v37;
	[tilespmem:v56+s14+$0x0] =	vst.idx.msk $0xffff, v14  }
0x1a6: {  	p0 =	sne.s32 s29, $0x3;
	v13 =	vor.u32 v11, v13;
	v14 =	vmul.f32 v16, v37;
	[tilespmem:v57+s14+$0x0] =	vst.idx.msk $0xffff, v17  }
.Ltmp5:
0x1a7: {  	v62 =	vmul.f32 v20, v37;
	[tilespmem:v58+s14+$0x0] =	vst.idx.msk $0xffff, v18;
	(pc) =	sbr.rel @p0 .LBB2_9-.Ltmp5, $4  }
0x1a8: {  	v63 =	vmul.f32 v21, v37;
	[tilespmem:v59+s14+$0x0] =	vst.idx.msk $0xffff, v14  }
0x1a9: {  	v14 =	vmul.f32 v15, v37;
	[tilespmem:v60+s14+$0x0] =	vst.idx.msk $0xffff, v62  }
0x1aa: {  	[tilespmem:v61+s14+$0x0] =	vst.idx.msk $0xffff, v63  }
0x1ab: {  	[tilespmem:v13+s14+$0x0] =	vst.idx.msk $0xffff, v14  }
0x1ac: {  	s0 =	smulhi.u32 $0xAAAAAAAB, s25;
	_ =	sdelay $0x1  }
0x1ad: {  	s0 =	sshrl.u32 s0, $0x1  }
0x1ae: {  	s0 =	smul.u32 $0x3, s0;
	_ =	sdelay $0x1  }
0x1af: {  	s0 =	ssub.s32 s25, s0  }
0x1b0: {  	p0 =	slt.u32 s26, $0xD2;
	s0 =	smul.u32 $0xC0, s0  }
.Ltmp6:
0x1b1: {  	_ = 	snop;
	(pc) =	sbr.rel @p0 .LBB2_4-.Ltmp6, $4  }
0x1b2: {  	_ = 	snop  }
0x1b3: {  	s0 =	sshrl.u32 s0, $0x2  }
0x1b4: {  	s25 =	smov.u32 s26;
	s0 =	sadd.s32 $0x90, s0  }
0x1b5: {  	[spmem:s2] =	stream.indirect.scatter.add.f32 [tilespmem:s14], [sflag:$0xB], $0x88, s0, s17, $0xb8;
	[tilespmem:$0x1F950] =	vst v63  }
0x1b6: {  	_ =	swait.ge [sflag:s23], $0x1980  }
0x1b7: {  	s0 =	stileid.u32;
	[sflag:s23] =	ssyncset.done $0x0  }
0x1b8: {  	s0 =	sshll.u32 s0, $0x6;
	[sflag:s23] =	ssyncadd.s32 $0xFFFFE680  }
0x1b9: {  	s4 =	sshrl.u32 s9, $0x3;
	s0 =	sor.u32 $0x1C0C, s0;
	[bflag:$0x0] =	sbarrier.arrive $0xFFFF  }
0x1ba: {  	[hbm:s19], [sflag:s0] =	dma.local [spmem:s4], $0x84D  }
0x1bb: {  	_ =	swait.ge [sflag:s15], $0x84D  }
0x1bc: {  	[sflag:s15] =	ssyncset.done $0x0;
	s26 =	rddreg [dreg:$0xd]  }
0x1bd: {  	s25 =	rddreg [dreg:$0xf];
	[sflag:s15] =	ssyncadd.s32 $0xFFFFF7B3  }
0x1be: {  	[hbm:s26], [sflag:s0] =	dma.local [spmem:s25], $0x84D  }
0x1bf: {  	_ =	swait.ge [sflag:s15], $0x84D  }
0x1c0: {  	[sflag:s15] =	ssyncset.done $0x0  }
0x1c1: {  	s28 =	rddreg [dreg:$0x10];
	[sflag:s15] =	ssyncadd.s32 $0xFFFFF7B3  }
0x1c2: {  	[hbm:s11], [sflag:s0] =	dma.local [spmem:s28], $0x84D  }
0x1c3: {  	_ =	swait.ge [sflag:s15], $0x84D  }
0x1c4: {  	[sflag:s15] =	ssyncset.done $0x0  }
0x1c5: {  	s29 =	rddreg [dreg:$0x11];
	[sflag:s15] =	ssyncadd.s32 $0xFFFFF7B3  }
0x1c6: {  	[hbm:s12], [sflag:s0] =	dma.local [spmem:s29], $0x84D  }
0x1c7: {  	_ =	swait.ge [sflag:s15], $0x84D  }
0x1c8: {  	[sflag:s15] =	ssyncset.done $0x0  }
0x1c9: {  	s30 =	rddreg [dreg:$0x12];
	[sflag:s15] =	ssyncadd.s32 $0xFFFFF7B3  }
0x1ca: {  	[hbm:s13], [sflag:s0] =	dma.local [spmem:s30], $0x84D  }
0x1cb: {  	_ =	swait.ge [sflag:s15], $0x84D  }
0x1cc: {  	s24 =	sadd.s32 $0x1, s24;
	s31 =	rddreg [dreg:$0xe]  }
0x1cd: {  	p0 =	sne.s32 s24, s31  }
.Ltmp7:
0x1ce: {  	_ = 	snop;
	(pc) =	sbr.rel @p0 .LBB2_1-.Ltmp7, $3  }
0x1cf: {  	_ =	sdelay $0x1  }
0x1d0: {  	[sflag:s15] =	ssyncset.done $0x0  }
0x1d1: {  	[sflag:s15] =	ssyncadd.s32 $0xFFFFF7B3  }
0x1d2: {  	_ =	sfence.sel $0x180000  }
0x1d3: {  	[bflag:$0x0] =	sbarrier.arrive $0xFFFF  }
0x1d4: {  	_ =	strace $0x90000047  }
0x1d5: {  	s0 =	stileid.u32;
	[bflag:$0x2] =	sbarrier.arrive $0xFFFF  }
0x1d6: {  	p0 =	sne.s32 s0, $0x0;
	s0 =	rddreg [dreg:$0x3]  }
0x1d7: {  	s0 =	sadd.s32 @!p0 $0x100000, s0  }
0x1d8: {  	[sflag:s0] =	ssyncadd.tile.s32 @!p0 $0x1;
	_ =	shalt  }
.Lfunc_end2:
_tile_overlayer_lowered:
.L_overlay_start_2:
0x1d9: {  	(tag) =	ssettag $0x2  }
0x1da: {  	s0 =	rddreg [dreg:$0x0];
	s2 =	stileid.u32  }
0x1db: {  	s1 =	rddreg [dreg:$0x1];
	p0 =	sne.s32 s2, $0x0  }
0x1dc: {  	s3 =	rddreg [dreg:$0x2];
	[bflag:$0x3] =	sbarrier.arrive $0xFFFF;
	s2 =	simm.s32 @!p0 $0x1C0C  }
0x1dd: {  	[timem:s3], [sflag:s2] =	dma.local @!p0 [hbm:s0], s1  }
0x1de: {  	s0 =	simm.s32 @!p0 $0xC  }
0x1df: {  	_ =	swait.ge @!p0 [sflag:s0], s1  }
0x1e0: {  	s1 =	ssub.s32 @!p0 $0x0, s1;
	[sflag:s0] =	ssyncset.done @!p0 $0x0  }
0x1e1: {  	[sflag:s0] =	ssyncadd.s32 @!p0 s1  }
0x1e2: {  	[bflag:$0x3] =	sbarrier.arrive $0xFFFF  }
0x1e3: {  	_ =	shalt  }

</sc_bundles>
